<compile_context>
chip_gen: v7x
topology: tpu7x:2x2x1
jax: 0.10.2.dev20260603
libtpu: 0.0.44.dev20260713+nightly
codegen_flags: <defaults>
</compile_context>

<pallas_src>
import functools

import jax
import jax.numpy as jnp
from jax import lax
from jax.experimental import pallas as pl
from jax.experimental.pallas import tpu as pltpu
from jax.experimental.pallas import tpu_sc as plsc

NUM_SELECT = 32
NUM_CORES = 2
NUM_SUBCORES = 16
LANES = 16
NEG = -3.0e38


def _scores_body(l_ref, s_ref):
    lt = l_ref[0]
    K = lt.shape[0]
    kiota = lax.broadcasted_iota(jnp.int32, (K, 1), 0)
    colsum = jnp.sum(lt, axis=1, keepdims=True)
    cmax = jnp.max(colsum)
    m = jnp.min(jnp.where(colsum == cmax, kiota, K))
    rowmax = jnp.max(lt, axis=0, keepdims=True)
    e = jnp.exp(lt - rowmax)
    denom = jnp.sum(e, axis=0, keepdims=True)
    ltm = l_ref[0, pl.ds(m, 1), :]
    num = jnp.exp(ltm - rowmax)
    s_ref[0, 0] = (num / denom)[0]


def _scores(logits):
    B, S, K = logits.shape
    lt = jnp.transpose(logits, (0, 2, 1))
    out = pl.pallas_call(
        _scores_body,
        grid=(B,),
        in_specs=[pl.BlockSpec((1, K, S), lambda b: (b, 0, 0))],
        out_specs=pl.BlockSpec((1, 1, S), lambda b: (b, 0, 0)),
        out_shape=jax.ShapeDtypeStruct((B, 1, S), jnp.float32),
    )(lt)
    return out.reshape(B * S)


def _shuffle(v, perm):
    dnums = lax.GatherDimensionNumbers(
        offset_dims=(), collapsed_slice_dims=(0,), start_index_map=(0,))
    return lax.gather(v, perm[:, None], dnums, (1,),
                      mode=lax.GatherScatterMode.PROMISE_IN_BOUNDS)


def _allmax(v, lane):
    for d in (1, 2, 4, 8):
        v = jnp.maximum(v, _shuffle(v, lane ^ d))
    return v


def _allmin_i32(v, lane):
    for d in (1, 2, 4, 8):
        v = jnp.minimum(v, _shuffle(v, lane ^ d))
    return v


def _stable_top32(score_ref, nvregs, emit):
    lane = lax.broadcasted_iota(jnp.int32, (LANES,), 0)
    mask0 = lane == 0
    nacc = min(4, nvregs)

    def comb(a, b):
        av, ai = a
        bv_, bi_ = b
        upd = (bv_ > av) | ((bv_ == av) & (bi_ < ai))
        return jnp.where(upd, bv_, av), jnp.where(upd, bi_, ai)

    bv = [jnp.full((LANES,), NEG, jnp.float32) for _ in range(nacc)]
    bi = [jnp.zeros((LANES,), jnp.int32) for _ in range(nacc)]
    for i in range(nvregs):
        j = i % nacc
        v = score_ref[pl.ds(i * LANES, LANES)]
        upd = v > bv[j]
        bv[j] = jnp.where(upd, v, bv[j])
        bi[j] = jnp.where(upd, i, bi[j])
    accs = list(zip(bv, bi))
    while len(accs) > 1:
        accs = [comb(accs[k], accs[k + 1])
                for k in range(0, len(accs) - 1, 2)] + (
                   [accs[-1]] if len(accs) % 2 else [])

    def rank_body(rank, state):
        fv, fi = state
        vmax = _allmax(fv, lane)
        combo = fi * LANES + lane
        idx = _allmin_i32(jnp.where(fv == vmax, combo, nvregs * LANES), lane)
        emit(rank, idx, vmax)
        lsel = idx & (LANES - 1)
        isel = idx >> 4
        cv, ci = None, None
        for j in range(nvregs // LANES):
            g = plsc.load_gather(score_ref, [(lane + j * LANES) * LANES + lsel])
            g = jnp.where(lane == isel - j * LANES, NEG, g)
            gi = lane + j * LANES
            cv, ci = (g, gi) if cv is None else comb((cv, ci), (g, gi))
        plsc.store_scatter(score_ref, [idx],
                           jnp.full((LANES,), NEG, jnp.float32), mask=mask0)
        nmax = _allmax(cv, lane)
        nidx = _allmin_i32(jnp.where(cv == nmax, ci, nvregs), lane)
        hit = lane == lsel
        return jnp.where(hit, nmax, fv), jnp.where(hit, nidx, fi)

    lax.fori_loop(0, NUM_SELECT, rank_body, accs[0])


def _make_selector(B, S, C):
    n_tiles = NUM_CORES * NUM_SUBCORES
    chunk = (B * S) // n_tiles
    nv = chunk // LANES
    b_per_core = B // NUM_CORES
    chunks_per_b = NUM_SUBCORES // b_per_core
    npool = chunks_per_b * NUM_SELECT
    mesh = plsc.VectorSubcoreMesh(core_axis_name="c", subcore_axis_name="s")

    @functools.partial(
        pl.kernel, mesh=mesh,
        compiler_params=pltpu.CompilerParams(needs_layout_passes=False),
        out_type=jax.ShapeDtypeStruct((B * NUM_SELECT, C), jnp.float32),
        scratch_types=[
            pltpu.VMEM((chunk,), jnp.float32),
            pltpu.VMEM((NUM_SELECT,), jnp.float32),
            pltpu.VMEM((NUM_SELECT,), jnp.int32),
            pltpu.VMEM((npool,), jnp.float32),
            pltpu.VMEM((npool,), jnp.int32),
            pltpu.VMEM((NUM_SELECT,), jnp.int32),
            pltpu.VMEM((NUM_SELECT, C), jnp.float32),
            pltpu.VMEM_SHARED((b_per_core, npool), jnp.float32),
            pltpu.VMEM_SHARED((b_per_core, npool), jnp.int32),
            pltpu.SemaphoreType.DMA,
        ],
    )
    def selector(scores_hbm, x_hbm, out_hbm,
                 sv, cv, ci, mv, mi, si, rows, shv, shi, sem):
        core = lax.axis_index("c")
        sid = lax.axis_index("s")
        bl = sid // chunks_per_b
        b = core * b_per_core + bl
        ch = sid % chunks_per_b
        base = b * S + ch * chunk
        lane = lax.broadcasted_iota(jnp.int32, (LANES,), 0)
        mask0 = lane == 0

        pltpu.sync_copy(scores_hbm.at[pl.ds(base, chunk)], sv)

        def emit_local(rank, idx, vmax):
            r = jnp.full((LANES,), rank, jnp.int32)
            plsc.store_scatter(cv, [r], vmax, mask=mask0)
            plsc.store_scatter(ci, [r], base + idx, mask=mask0)

        _stable_top32(sv, nv, emit_local)

        pltpu.sync_copy(cv, shv.at[bl, pl.ds(ch * NUM_SELECT, NUM_SELECT)])
        pltpu.sync_copy(ci, shi.at[bl, pl.ds(ch * NUM_SELECT, NUM_SELECT)])
        plsc.subcore_barrier()

        @pl.when(ch == 0)
        def _merge():
            pltpu.sync_copy(shv.at[bl], mv)
            pltpu.sync_copy(shi.at[bl], mi)

            def emit_final(rank, p, vmax):
                row = plsc.load_gather(mi, [p])
                plsc.store_scatter(si, [jnp.full((LANES,), rank, jnp.int32)],
                                   row, mask=mask0)

            _stable_top32(mv, npool // LANES, emit_final)
            pltpu.async_copy(x_hbm.at[si], rows, sem).wait()
            pltpu.sync_copy(rows, out_hbm.at[pl.ds(b * NUM_SELECT, NUM_SELECT)])

    return selector


def kernel(x, logits):
    B, S, C = x.shape
    scores = _scores(logits)
    selector = _make_selector(B, S, C)
    out = selector(scores, x.reshape(B * S, C))
    return out.reshape(B, NUM_SELECT, C)

# --- scband reference (transcript-rebuilt; emitter-appended) ---
"""Pipeline reference for scband-weakly-selector-35150012351021 (READ-ONLY COPY).

The authoritative reference and input builder live on the scoring server;
editing this copy changes nothing except your own understanding.
"""

import jax, jax.numpy as jnp
import numpy as np

NUM_SELECT = 32

def setup_inputs(seed: int = 0) -> dict:
    key = jax.random.key(seed)
    k1, k2 = jax.random.split(key)
    x = jax.random.normal(k1, (4, 4096, 1024), dtype=jnp.float32)
    logits = jax.random.normal(k2, (4, 4096, 200), dtype=jnp.float32)
    return {"x": x, "logits": logits}


def reference(x, logits):
    # Faithful translation of WeaklySelector.forward for a single named
    # feature map ('layer1') with fpn_size set (logits supplied externally).
    # x: [B, S, C], logits: [B, S, num_classes]
    probs = jax.nn.softmax(logits, axis=-1)                     # [B, S, K]
    sum_probs = jax.nn.softmax(jnp.mean(logits, axis=1), -1)    # [B, K]
    max_ids = jnp.argmax(sum_probs, axis=-1)                    # [B]
    # per-batch scores on the globally-max class channel
    scores = jnp.take_along_axis(probs, max_ids[:, None, None], axis=2)[..., 0]  # [B, S]
    # descending sort of token scores (torch.sort(..., descending=True))
    order = jnp.argsort(-scores, axis=1)                        # [B, S]
    sel_idx = order[:, :NUM_SELECT]                             # [B, num_select]
    selections = jnp.take_along_axis(x, sel_idx[:, :, None], axis=1)  # [B, num_select, C]
    return selections

if __name__ == "__main__":
    import jax
    _d = setup_inputs()
    print(jax.jit(kernel)(*tuple(_d.values())))

</pallas_src>

<mosaic_0001>
#map = affine_map<(d0, d1) -> (0)>
#map1 = affine_map<(d0, d1) -> (0, 0)>
module attributes {stable_mosaic.version = 14 : i64} {
  func.func @selector(%arg0: i32, %arg1: i32, %arg2: memref<16384xf32, #tpu.memory_space<hbm>>, %arg3: memref<16384x1024xf32, #tpu.memory_space<hbm>>, %arg4: memref<128x1024xf32, #tpu.memory_space<hbm>>, %arg5: memref<512xf32, #tpu.memory_space<vmem>>, %arg6: memref<32xf32, #tpu.memory_space<vmem>>, %arg7: memref<32xi32, #tpu.memory_space<vmem>>, %arg8: memref<256xf32, #tpu.memory_space<vmem>>, %arg9: memref<256xi32, #tpu.memory_space<vmem>>, %arg10: memref<32xi32, #tpu.memory_space<vmem>>, %arg11: memref<32x1024xf32, #tpu.memory_space<vmem>>, %arg12: memref<2x256xf32, #tpu.memory_space<vmem_shared>>, %arg13: memref<2x256xi32, #tpu.memory_space<vmem_shared>>, %arg14: memref<!tpu.dma_semaphore, #tpu.memory_space<semaphore_mem>>) attributes {dimension_semantics = [#tpu.dimension_semantics<core_parallel>, #tpu.dimension_semantics<subcore_parallel>], iteration_bounds = array<i64: 2, 16>, scalar_prefetch = 0 : i64, scratch_operands = 10 : i64, tpu.core_type = #tpu.core_type<sc_vector_subcore>, window_params = [{transform_indices = #map}, {transform_indices = #map1}, {transform_indices = #map1}]} {
    %jit3A = arith.constant 8 : i32
    %div3A = arith.divsi %arg1, %jit3A : i32
    %sign3A = arith.constant 0 : i32
    %sign3A_0 = arith.cmpi sgt, %arg1, %sign3A : i32
    %sign3A_1 = arith.extui %sign3A_0 : i1 to i32
    %sign3A_2 = arith.constant 0 : i32
    %sign3A_3 = arith.cmpi slt, %arg1, %sign3A_2 : i32
    %sign3A_4 = arith.extui %sign3A_3 : i1 to i32
    %sign3A_5 = arith.subi %sign3A_1, %sign3A_4 : i32
    %sign3A_6 = arith.constant 0 : i32
    %sign3A_7 = arith.cmpi sgt, %jit3A, %sign3A_6 : i32
    %sign3A_8 = arith.extui %sign3A_7 : i1 to i32
    %sign3A_9 = arith.constant 0 : i32
    %sign3A_10 = arith.cmpi slt, %jit3A, %sign3A_9 : i32
    %sign3A_11 = arith.extui %sign3A_10 : i1 to i32
    %sign3A_12 = arith.subi %sign3A_8, %sign3A_11 : i32
    %ne3A = arith.cmpi ne, %sign3A_5, %sign3A_12 : i32
    %rem3A = arith.remsi %arg1, %jit3A : i32
    %ne3A_13 = arith.constant 0 : i32
    %ne3A_14 = arith.cmpi ne, %rem3A, %ne3A_13 : i32
    %and3A = arith.andi %ne3A, %ne3A_14 : i1
    %sub3A = arith.constant 1 : i32
    %sub3A_15 = arith.subi %div3A, %sub3A : i32
    %select_n3A = arith.select %and3A, %sub3A_15, %div3A : i32
    %mul3A = arith.constant 2 : i32
    %mul3A_16 = arith.muli %arg0, %mul3A : i32
    %add3A = arith.addi %mul3A_16, %select_n3A : i32
    %jit3A_17 = arith.constant 8 : i32
    %eq3A = arith.constant 0 : i32
    %eq3A_18 = arith.cmpi eq, %jit3A_17, %eq3A : i32
    %jit3A_19 = arith.constant 1 : i32
    %select_n3A_20 = arith.select %eq3A_18, %jit3A_19, %jit3A_17 : i32
    %rem3A_21 = arith.remsi %arg1, %select_n3A_20 : i32
    %ne3A_22 = arith.constant 0 : i32
    %ne3A_23 = arith.cmpi ne, %rem3A_21, %ne3A_22 : i32
    %lt3A = arith.constant 0 : i32
    %lt3A_24 = arith.cmpi slt, %rem3A_21, %lt3A : i32
    %lt3A_25 = arith.constant 0 : i32
    %lt3A_26 = arith.cmpi slt, %select_n3A_20, %lt3A_25 : i32
    %ne3A_27 = arith.xori %lt3A_24, %lt3A_26 : i1
    %and3A_28 = arith.andi %ne3A_27, %ne3A_23 : i1
    %add3A_29 = arith.addi %rem3A_21, %select_n3A_20 : i32
    %select_n3A_30 = arith.select %and3A_28, %add3A_29, %rem3A_21 : i32
    %mul3A_31 = arith.constant 4096 : i32
    %mul3A_32 = arith.muli %add3A, %mul3A_31 : i32
    %mul3A_33 = arith.constant 512 : i32
    %mul3A_34 = arith.muli %select_n3A_30, %mul3A_33 : i32
    %add3A_35 = arith.addi %mul3A_32, %mul3A_34 : i32
    %iota3A = tpu.iota {dimensions = array<i32: 0>} : vector<16xi32>
    %eq3A_36 = arith.constant 0 : i32
    %eq3A_37 = vector.broadcast %eq3A_36 : i32 to vector<16xi32>
    %eq3A_38 = arith.cmpi eq, %iota3A, %eq3A_37 : vector<16xi32>
    "tpu.region"() ({
      %run_scoped3A = tpu.sem_alloc : memref<!tpu.dma_semaphore, #tpu.memory_space<semaphore_mem>>
      %dma_start3A = tpu.memref_slice %arg2[%add3A_35] : memref<16384xf32, #tpu.memory_space<hbm>> -> memref<512xf32, #tpu.memory_space<hbm>>
      %dma_start3A_312 = tpu.memref_slice %arg2[%add3A_35] : memref<16384xf32, #tpu.memory_space<hbm>> -> memref<512xf32, #tpu.memory_space<hbm>>
      tpu.enqueue_dma source(%dma_start3A_312 : memref<512xf32, #tpu.memory_space<hbm>>) target(%arg5 : memref<512xf32, #tpu.memory_space<vmem>>) target_semaphore(%run_scoped3A : memref<!tpu.dma_semaphore, #tpu.memory_space<semaphore_mem>>)
      %dma_wait3A = tpu.memref_slice %arg2[%add3A_35] : memref<16384xf32, #tpu.memory_space<hbm>> -> memref<512xf32, #tpu.memory_space<hbm>>
      %dma_wait3A_313 = tpu.memref_slice %arg2[%add3A_35] : memref<16384xf32, #tpu.memory_space<hbm>> -> memref<512xf32, #tpu.memory_space<hbm>>
      tpu.wait_dma2 semaphore(%run_scoped3A : memref<!tpu.dma_semaphore, #tpu.memory_space<semaphore_mem>>) src(%dma_wait3A_313 : memref<512xf32, #tpu.memory_space<hbm>>) dst(%arg5 : memref<512xf32, #tpu.memory_space<vmem>>)
      tpu.yield
    }) : () -> ()
    %iota3A_39 = tpu.iota {dimensions = array<i32: 0>} : vector<16xi32>
    %eq3A_40 = arith.constant 0 : i32
    %eq3A_41 = vector.broadcast %eq3A_40 : i32 to vector<16xi32>
    %eq3A_42 = arith.cmpi eq, %iota3A_39, %eq3A_41 : vector<16xi32>
    %broadcast_in_dim3A = arith.constant -3.000000e+38 : f32
    %broadcast_in_dim3A_43 = vector.broadcast %broadcast_in_dim3A : f32 to vector<16xf32>
    %broadcast_in_dim3A_44 = arith.constant -3.000000e+38 : f32
    %broadcast_in_dim3A_45 = vector.broadcast %broadcast_in_dim3A_44 : f32 to vector<16xf32>
    %broadcast_in_dim3A_46 = arith.constant -3.000000e+38 : f32
    %broadcast_in_dim3A_47 = vector.broadcast %broadcast_in_dim3A_46 : f32 to vector<16xf32>
    %broadcast_in_dim3A_48 = arith.constant -3.000000e+38 : f32
    %broadcast_in_dim3A_49 = vector.broadcast %broadcast_in_dim3A_48 : f32 to vector<16xf32>
    %broadcast_in_dim3A_50 = arith.constant 0 : i32
    %broadcast_in_dim3A_51 = vector.broadcast %broadcast_in_dim3A_50 : i32 to vector<16xi32>
    %broadcast_in_dim3A_52 = arith.constant 0 : i32
    %broadcast_in_dim3A_53 = vector.broadcast %broadcast_in_dim3A_52 : i32 to vector<16xi32>
    %broadcast_in_dim3A_54 = arith.constant 0 : i32
    %broadcast_in_dim3A_55 = vector.broadcast %broadcast_in_dim3A_54 : i32 to vector<16xi32>
    %broadcast_in_dim3A_56 = arith.constant 0 : i32
    %broadcast_in_dim3A_57 = vector.broadcast %broadcast_in_dim3A_56 : i32 to vector<16xi32>
    %get3A = arith.constant 0 : index
    %get3A_58 = tpu.vector_load %arg5[%get3A] {strides = array<i32>} : memref<512xf32, #tpu.memory_space<vmem>>, vector<16xf32>,
    %gt3A = arith.cmpf ogt, %get3A_58, %broadcast_in_dim3A_43 : vector<16xf32>
    %select_n3A_59 = arith.select %gt3A, %get3A_58, %broadcast_in_dim3A_43 : vector<16xi1>, vector<16xf32>
    %jit3A_60 = arith.constant 0 : i32
    %broadcast_in_dim3A_61 = vector.broadcast %jit3A_60 : i32 to vector<16xi32>
    %select_n3A_62 = arith.select %gt3A, %broadcast_in_dim3A_61, %broadcast_in_dim3A_51 : vector<16xi1>, vector<16xi32>
    %get3A_63 = arith.constant 16 : index
    %get3A_64 = tpu.vector_load %arg5[%get3A_63] {strides = array<i32>} : memref<512xf32, #tpu.memory_space<vmem>>, vector<16xf32>,
    %gt3A_65 = arith.cmpf ogt, %get3A_64, %broadcast_in_dim3A_45 : vector<16xf32>
    %select_n3A_66 = arith.select %gt3A_65, %get3A_64, %broadcast_in_dim3A_45 : vector<16xi1>, vector<16xf32>
    %jit3A_67 = arith.constant 1 : i32
    %broadcast_in_dim3A_68 = vector.broadcast %jit3A_67 : i32 to vector<16xi32>
    %select_n3A_69 = arith.select %gt3A_65, %broadcast_in_dim3A_68, %broadcast_in_dim3A_53 : vector<16xi1>, vector<16xi32>
    %get3A_70 = arith.constant 32 : index
    %get3A_71 = tpu.vector_load %arg5[%get3A_70] {strides = array<i32>} : memref<512xf32, #tpu.memory_space<vmem>>, vector<16xf32>,
    %gt3A_72 = arith.cmpf ogt, %get3A_71, %broadcast_in_dim3A_47 : vector<16xf32>
    %select_n3A_73 = arith.select %gt3A_72, %get3A_71, %broadcast_in_dim3A_47 : vector<16xi1>, vector<16xf32>
    %jit3A_74 = arith.constant 2 : i32
    %broadcast_in_dim3A_75 = vector.broadcast %jit3A_74 : i32 to vector<16xi32>
    %select_n3A_76 = arith.select %gt3A_72, %broadcast_in_dim3A_75, %broadcast_in_dim3A_55 : vector<16xi1>, vector<16xi32>
    %get3A_77 = arith.constant 48 : index
    %get3A_78 = tpu.vector_load %arg5[%get3A_77] {strides = array<i32>} : memref<512xf32, #tpu.memory_space<vmem>>, vector<16xf32>,
    %gt3A_79 = arith.cmpf ogt, %get3A_78, %broadcast_in_dim3A_49 : vector<16xf32>
    %select_n3A_80 = arith.select %gt3A_79, %get3A_78, %broadcast_in_dim3A_49 : vector<16xi1>, vector<16xf32>
    %jit3A_81 = arith.constant 3 : i32
    %broadcast_in_dim3A_82 = vector.broadcast %jit3A_81 : i32 to vector<16xi32>
    %select_n3A_83 = arith.select %gt3A_79, %broadcast_in_dim3A_82, %broadcast_in_dim3A_57 : vector<16xi1>, vector<16xi32>
    %get3A_84 = arith.constant 64 : index
    %get3A_85 = tpu.vector_load %arg5[%get3A_84] {strides = array<i32>} : memref<512xf32, #tpu.memory_space<vmem>>, vector<16xf32>,
    %gt3A_86 = arith.cmpf ogt, %get3A_85, %select_n3A_59 : vector<16xf32>
    %select_n3A_87 = arith.select %gt3A_86, %get3A_85, %select_n3A_59 : vector<16xi1>, vector<16xf32>
    %jit3A_88 = arith.constant 4 : i32
    %broadcast_in_dim3A_89 = vector.broadcast %jit3A_88 : i32 to vector<16xi32>
    %select_n3A_90 = arith.select %gt3A_86, %broadcast_in_dim3A_89, %select_n3A_62 : vector<16xi1>, vector<16xi32>
    %get3A_91 = arith.constant 80 : index
    %get3A_92 = tpu.vector_load %arg5[%get3A_91] {strides = array<i32>} : memref<512xf32, #tpu.memory_space<vmem>>, vector<16xf32>,
    %gt3A_93 = arith.cmpf ogt, %get3A_92, %select_n3A_66 : vector<16xf32>
    %select_n3A_94 = arith.select %gt3A_93, %get3A_92, %select_n3A_66 : vector<16xi1>, vector<16xf32>
    %jit3A_95 = arith.constant 5 : i32
    %broadcast_in_dim3A_96 = vector.broadcast %jit3A_95 : i32 to vector<16xi32>
    %select_n3A_97 = arith.select %gt3A_93, %broadcast_in_dim3A_96, %select_n3A_69 : vector<16xi1>, vector<16xi32>
    %get3A_98 = arith.constant 96 : index
    %get3A_99 = tpu.vector_load %arg5[%get3A_98] {strides = array<i32>} : memref<512xf32, #tpu.memory_space<vmem>>, vector<16xf32>,
    %gt3A_100 = arith.cmpf ogt, %get3A_99, %select_n3A_73 : vector<16xf32>
    %select_n3A_101 = arith.select %gt3A_100, %get3A_99, %select_n3A_73 : vector<16xi1>, vector<16xf32>
    %jit3A_102 = arith.constant 6 : i32
    %broadcast_in_dim3A_103 = vector.broadcast %jit3A_102 : i32 to vector<16xi32>
    %select_n3A_104 = arith.select %gt3A_100, %broadcast_in_dim3A_103, %select_n3A_76 : vector<16xi1>, vector<16xi32>
    %get3A_105 = arith.constant 112 : index
    %get3A_106 = tpu.vector_load %arg5[%get3A_105] {strides = array<i32>} : memref<512xf32, #tpu.memory_space<vmem>>, vector<16xf32>,
    %gt3A_107 = arith.cmpf ogt, %get3A_106, %select_n3A_80 : vector<16xf32>
    %select_n3A_108 = arith.select %gt3A_107, %get3A_106, %select_n3A_80 : vector<16xi1>, vector<16xf32>
    %jit3A_109 = arith.constant 7 : i32
    %broadcast_in_dim3A_110 = vector.broadcast %jit3A_109 : i32 to vector<16xi32>
    %select_n3A_111 = arith.select %gt3A_107, %broadcast_in_dim3A_110, %select_n3A_83 : vector<16xi1>, vector<16xi32>
    %get3A_112 = arith.constant 128 : index
    %get3A_113 = tpu.vector_load %arg5[%get3A_112] {strides = array<i32>} : memref<512xf32, #tpu.memory_space<vmem>>, vector<16xf32>,
    %gt3A_114 = arith.cmpf ogt, %get3A_113, %select_n3A_87 : vector<16xf32>
    %select_n3A_115 = arith.select %gt3A_114, %get3A_113, %select_n3A_87 : vector<16xi1>, vector<16xf32>
    %jit3A_116 = arith.constant 8 : i32
    %broadcast_in_dim3A_117 = vector.broadcast %jit3A_116 : i32 to vector<16xi32>
    %select_n3A_118 = arith.select %gt3A_114, %broadcast_in_dim3A_117, %select_n3A_90 : vector<16xi1>, vector<16xi32>
    %get3A_119 = arith.constant 144 : index
    %get3A_120 = tpu.vector_load %arg5[%get3A_119] {strides = array<i32>} : memref<512xf32, #tpu.memory_space<vmem>>, vector<16xf32>,
    %gt3A_121 = arith.cmpf ogt, %get3A_120, %select_n3A_94 : vector<16xf32>
    %select_n3A_122 = arith.select %gt3A_121, %get3A_120, %select_n3A_94 : vector<16xi1>, vector<16xf32>
    %jit3A_123 = arith.constant 9 : i32
    %broadcast_in_dim3A_124 = vector.broadcast %jit3A_123 : i32 to vector<16xi32>
    %select_n3A_125 = arith.select %gt3A_121, %broadcast_in_dim3A_124, %select_n3A_97 : vector<16xi1>, vector<16xi32>
    %get3A_126 = arith.constant 160 : index
    %get3A_127 = tpu.vector_load %arg5[%get3A_126] {strides = array<i32>} : memref<512xf32, #tpu.memory_space<vmem>>, vector<16xf32>,
    %gt3A_128 = arith.cmpf ogt, %get3A_127, %select_n3A_101 : vector<16xf32>
    %select_n3A_129 = arith.select %gt3A_128, %get3A_127, %select_n3A_101 : vector<16xi1>, vector<16xf32>
    %jit3A_130 = arith.constant 10 : i32
    %broadcast_in_dim3A_131 = vector.broadcast %jit3A_130 : i32 to vector<16xi32>
    %select_n3A_132 = arith.select %gt3A_128, %broadcast_in_dim3A_131, %select_n3A_104 : vector<16xi1>, vector<16xi32>
    %get3A_133 = arith.constant 176 : index
    %get3A_134 = tpu.vector_load %arg5[%get3A_133] {strides = array<i32>} : memref<512xf32, #tpu.memory_space<vmem>>, vector<16xf32>,
    %gt3A_135 = arith.cmpf ogt, %get3A_134, %select_n3A_108 : vector<16xf32>
    %select_n3A_136 = arith.select %gt3A_135, %get3A_134, %select_n3A_108 : vector<16xi1>, vector<16xf32>
    %jit3A_137 = arith.constant 11 : i32
    %broadcast_in_dim3A_138 = vector.broadcast %jit3A_137 : i32 to vector<16xi32>
    %select_n3A_139 = arith.select %gt3A_135, %broadcast_in_dim3A_138, %select_n3A_111 : vector<16xi1>, vector<16xi32>
    %get3A_140 = arith.constant 192 : index
    %get3A_141 = tpu.vector_load %arg5[%get3A_140] {strides = array<i32>} : memref<512xf32, #tpu.memory_space<vmem>>, vector<16xf32>,
    %gt3A_142 = arith.cmpf ogt, %get3A_141, %select_n3A_115 : vector<16xf32>
    %select_n3A_143 = arith.select %gt3A_142, %get3A_141, %select_n3A_115 : vector<16xi1>, vector<16xf32>
    %jit3A_144 = arith.constant 12 : i32
    %broadcast_in_dim3A_145 = vector.broadcast %jit3A_144 : i32 to vector<16xi32>
    %select_n3A_146 = arith.select %gt3A_142, %broadcast_in_dim3A_145, %select_n3A_118 : vector<16xi1>, vector<16xi32>
    %get3A_147 = arith.constant 208 : index
    %get3A_148 = tpu.vector_load %arg5[%get3A_147] {strides = array<i32>} : memref<512xf32, #tpu.memory_space<vmem>>, vector<16xf32>,
    %gt3A_149 = arith.cmpf ogt, %get3A_148, %select_n3A_122 : vector<16xf32>
    %select_n3A_150 = arith.select %gt3A_149, %get3A_148, %select_n3A_122 : vector<16xi1>, vector<16xf32>
    %jit3A_151 = arith.constant 13 : i32
    %broadcast_in_dim3A_152 = vector.broadcast %jit3A_151 : i32 to vector<16xi32>
    %select_n3A_153 = arith.select %gt3A_149, %broadcast_in_dim3A_152, %select_n3A_125 : vector<16xi1>, vector<16xi32>
    %get3A_154 = arith.constant 224 : index
    %get3A_155 = tpu.vector_load %arg5[%get3A_154] {strides = array<i32>} : memref<512xf32, #tpu.memory_space<vmem>>, vector<16xf32>,
    %gt3A_156 = arith.cmpf ogt, %get3A_155, %select_n3A_129 : vector<16xf32>
    %select_n3A_157 = arith.select %gt3A_156, %get3A_155, %select_n3A_129 : vector<16xi1>, vector<16xf32>
    %jit3A_158 = arith.constant 14 : i32
    %broadcast_in_dim3A_159 = vector.broadcast %jit3A_158 : i32 to vector<16xi32>
    %select_n3A_160 = arith.select %gt3A_156, %broadcast_in_dim3A_159, %select_n3A_132 : vector<16xi1>, vector<16xi32>
    %get3A_161 = arith.constant 240 : index
    %get3A_162 = tpu.vector_load %arg5[%get3A_161] {strides = array<i32>} : memref<512xf32, #tpu.memory_space<vmem>>, vector<16xf32>,
    %gt3A_163 = arith.cmpf ogt, %get3A_162, %select_n3A_136 : vector<16xf32>
    %select_n3A_164 = arith.select %gt3A_163, %get3A_162, %select_n3A_136 : vector<16xi1>, vector<16xf32>
    %jit3A_165 = arith.constant 15 : i32
    %broadcast_in_dim3A_166 = vector.broadcast %jit3A_165 : i32 to vector<16xi32>
    %select_n3A_167 = arith.select %gt3A_163, %broadcast_in_dim3A_166, %select_n3A_139 : vector<16xi1>, vector<16xi32>
    %get3A_168 = arith.constant 256 : index
    %get3A_169 = tpu.vector_load %arg5[%get3A_168] {strides = array<i32>} : memref<512xf32, #tpu.memory_space<vmem>>, vector<16xf32>,
    %gt3A_170 = arith.cmpf ogt, %get3A_169, %select_n3A_143 : vector<16xf32>
    %select_n3A_171 = arith.select %gt3A_170, %get3A_169, %select_n3A_143 : vector<16xi1>, vector<16xf32>
    %jit3A_172 = arith.constant 16 : i32
    %broadcast_in_dim3A_173 = vector.broadcast %jit3A_172 : i32 to vector<16xi32>
    %select_n3A_174 = arith.select %gt3A_170, %broadcast_in_dim3A_173, %select_n3A_146 : vector<16xi1>, vector<16xi32>
    %get3A_175 = arith.constant 272 : index
    %get3A_176 = tpu.vector_load %arg5[%get3A_175] {strides = array<i32>} : memref<512xf32, #tpu.memory_space<vmem>>, vector<16xf32>,
    %gt3A_177 = arith.cmpf ogt, %get3A_176, %select_n3A_150 : vector<16xf32>
    %select_n3A_178 = arith.select %gt3A_177, %get3A_176, %select_n3A_150 : vector<16xi1>, vector<16xf32>
    %jit3A_179 = arith.constant 17 : i32
    %broadcast_in_dim3A_180 = vector.broadcast %jit3A_179 : i32 to vector<16xi32>
    %select_n3A_181 = arith.select %gt3A_177, %broadcast_in_dim3A_180, %select_n3A_153 : vector<16xi1>, vector<16xi32>
    %get3A_182 = arith.constant 288 : index
    %get3A_183 = tpu.vector_load %arg5[%get3A_182] {strides = array<i32>} : memref<512xf32, #tpu.memory_space<vmem>>, vector<16xf32>,
    %gt3A_184 = arith.cmpf ogt, %get3A_183, %select_n3A_157 : vector<16xf32>
    %select_n3A_185 = arith.select %gt3A_184, %get3A_183, %select_n3A_157 : vector<16xi1>, vector<16xf32>
    %jit3A_186 = arith.constant 18 : i32
    %broadcast_in_dim3A_187 = vector.broadcast %jit3A_186 : i32 to vector<16xi32>
    %select_n3A_188 = arith.select %gt3A_184, %broadcast_in_dim3A_187, %select_n3A_160 : vector<16xi1>, vector<16xi32>
    %get3A_189 = arith.constant 304 : index
    %get3A_190 = tpu.vector_load %arg5[%get3A_189] {strides = array<i32>} : memref<512xf32, #tpu.memory_space<vmem>>, vector<16xf32>,
    %gt3A_191 = arith.cmpf ogt, %get3A_190, %select_n3A_164 : vector<16xf32>
    %select_n3A_192 = arith.select %gt3A_191, %get3A_190, %select_n3A_164 : vector<16xi1>, vector<16xf32>
    %jit3A_193 = arith.constant 19 : i32
    %broadcast_in_dim3A_194 = vector.broadcast %jit3A_193 : i32 to vector<16xi32>
    %select_n3A_195 = arith.select %gt3A_191, %broadcast_in_dim3A_194, %select_n3A_167 : vector<16xi1>, vector<16xi32>
    %get3A_196 = arith.constant 320 : index
    %get3A_197 = tpu.vector_load %arg5[%get3A_196] {strides = array<i32>} : memref<512xf32, #tpu.memory_space<vmem>>, vector<16xf32>,
    %gt3A_198 = arith.cmpf ogt, %get3A_197, %select_n3A_171 : vector<16xf32>
    %select_n3A_199 = arith.select %gt3A_198, %get3A_197, %select_n3A_171 : vector<16xi1>, vector<16xf32>
    %jit3A_200 = arith.constant 20 : i32
    %broadcast_in_dim3A_201 = vector.broadcast %jit3A_200 : i32 to vector<16xi32>
    %select_n3A_202 = arith.select %gt3A_198, %broadcast_in_dim3A_201, %select_n3A_174 : vector<16xi1>, vector<16xi32>
    %get3A_203 = arith.constant 336 : index
    %get3A_204 = tpu.vector_load %arg5[%get3A_203] {strides = array<i32>} : memref<512xf32, #tpu.memory_space<vmem>>, vector<16xf32>,
    %gt3A_205 = arith.cmpf ogt, %get3A_204, %select_n3A_178 : vector<16xf32>
    %select_n3A_206 = arith.select %gt3A_205, %get3A_204, %select_n3A_178 : vector<16xi1>, vector<16xf32>
    %jit3A_207 = arith.constant 21 : i32
    %broadcast_in_dim3A_208 = vector.broadcast %jit3A_207 : i32 to vector<16xi32>
    %select_n3A_209 = arith.select %gt3A_205, %broadcast_in_dim3A_208, %select_n3A_181 : vector<16xi1>, vector<16xi32>
    %get3A_210 = arith.constant 352 : index
    %get3A_211 = tpu.vector_load %arg5[%get3A_210] {strides = array<i32>} : memref<512xf32, #tpu.memory_space<vmem>>, vector<16xf32>,
    %gt3A_212 = arith.cmpf ogt, %get3A_211, %select_n3A_185 : vector<16xf32>
    %select_n3A_213 = arith.select %gt3A_212, %get3A_211, %select_n3A_185 : vector<16xi1>, vector<16xf32>
    %jit3A_214 = arith.constant 22 : i32
    %broadcast_in_dim3A_215 = vector.broadcast %jit3A_214 : i32 to vector<16xi32>
    %select_n3A_216 = arith.select %gt3A_212, %broadcast_in_dim3A_215, %select_n3A_188 : vector<16xi1>, vector<16xi32>
    %get3A_217 = arith.constant 368 : index
    %get3A_218 = tpu.vector_load %arg5[%get3A_217] {strides = array<i32>} : memref<512xf32, #tpu.memory_space<vmem>>, vector<16xf32>,
    %gt3A_219 = arith.cmpf ogt, %get3A_218, %select_n3A_192 : vector<16xf32>
    %select_n3A_220 = arith.select %gt3A_219, %get3A_218, %select_n3A_192 : vector<16xi1>, vector<16xf32>
    %jit3A_221 = arith.constant 23 : i32
    %broadcast_in_dim3A_222 = vector.broadcast %jit3A_221 : i32 to vector<16xi32>
    %select_n3A_223 = arith.select %gt3A_219, %broadcast_in_dim3A_222, %select_n3A_195 : vector<16xi1>, vector<16xi32>
    %get3A_224 = arith.constant 384 : index
    %get3A_225 = tpu.vector_load %arg5[%get3A_224] {strides = array<i32>} : memref<512xf32, #tpu.memory_space<vmem>>, vector<16xf32>,
    %gt3A_226 = arith.cmpf ogt, %get3A_225, %select_n3A_199 : vector<16xf32>
    %select_n3A_227 = arith.select %gt3A_226, %get3A_225, %select_n3A_199 : vector<16xi1>, vector<16xf32>
    %jit3A_228 = arith.constant 24 : i32
    %broadcast_in_dim3A_229 = vector.broadcast %jit3A_228 : i32 to vector<16xi32>
    %select_n3A_230 = arith.select %gt3A_226, %broadcast_in_dim3A_229, %select_n3A_202 : vector<16xi1>, vector<16xi32>
    %get3A_231 = arith.constant 400 : index
    %get3A_232 = tpu.vector_load %arg5[%get3A_231] {strides = array<i32>} : memref<512xf32, #tpu.memory_space<vmem>>, vector<16xf32>,
    %gt3A_233 = arith.cmpf ogt, %get3A_232, %select_n3A_206 : vector<16xf32>
    %select_n3A_234 = arith.select %gt3A_233, %get3A_232, %select_n3A_206 : vector<16xi1>, vector<16xf32>
    %jit3A_235 = arith.constant 25 : i32
    %broadcast_in_dim3A_236 = vector.broadcast %jit3A_235 : i32 to vector<16xi32>
    %select_n3A_237 = arith.select %gt3A_233, %broadcast_in_dim3A_236, %select_n3A_209 : vector<16xi1>, vector<16xi32>
    %get3A_238 = arith.constant 416 : index
    %get3A_239 = tpu.vector_load %arg5[%get3A_238] {strides = array<i32>} : memref<512xf32, #tpu.memory_space<vmem>>, vector<16xf32>,
    %gt3A_240 = arith.cmpf ogt, %get3A_239, %select_n3A_213 : vector<16xf32>
    %select_n3A_241 = arith.select %gt3A_240, %get3A_239, %select_n3A_213 : vector<16xi1>, vector<16xf32>
    %jit3A_242 = arith.constant 26 : i32
    %broadcast_in_dim3A_243 = vector.broadcast %jit3A_242 : i32 to vector<16xi32>
    %select_n3A_244 = arith.select %gt3A_240, %broadcast_in_dim3A_243, %select_n3A_216 : vector<16xi1>, vector<16xi32>
    %get3A_245 = arith.constant 432 : index
    %get3A_246 = tpu.vector_load %arg5[%get3A_245] {strides = array<i32>} : memref<512xf32, #tpu.memory_space<vmem>>, vector<16xf32>,
    %gt3A_247 = arith.cmpf ogt, %get3A_246, %select_n3A_220 : vector<16xf32>
    %select_n3A_248 = arith.select %gt3A_247, %get3A_246, %select_n3A_220 : vector<16xi1>, vector<16xf32>
    %jit3A_249 = arith.constant 27 : i32
    %broadcast_in_dim3A_250 = vector.broadcast %jit3A_249 : i32 to vector<16xi32>
    %select_n3A_251 = arith.select %gt3A_247, %broadcast_in_dim3A_250, %select_n3A_223 : vector<16xi1>, vector<16xi32>
    %get3A_252 = arith.constant 448 : index
    %get3A_253 = tpu.vector_load %arg5[%get3A_252] {strides = array<i32>} : memref<512xf32, #tpu.memory_space<vmem>>, vector<16xf32>,
    %gt3A_254 = arith.cmpf ogt, %get3A_253, %select_n3A_227 : vector<16xf32>
    %select_n3A_255 = arith.select %gt3A_254, %get3A_253, %select_n3A_227 : vector<16xi1>, vector<16xf32>
    %jit3A_256 = arith.constant 28 : i32
    %broadcast_in_dim3A_257 = vector.broadcast %jit3A_256 : i32 to vector<16xi32>
    %select_n3A_258 = arith.select %gt3A_254, %broadcast_in_dim3A_257, %select_n3A_230 : vector<16xi1>, vector<16xi32>
    %get3A_259 = arith.constant 464 : index
    %get3A_260 = tpu.vector_load %arg5[%get3A_259] {strides = array<i32>} : memref<512xf32, #tpu.memory_space<vmem>>, vector<16xf32>,
    %gt3A_261 = arith.cmpf ogt, %get3A_260, %select_n3A_234 : vector<16xf32>
    %select_n3A_262 = arith.select %gt3A_261, %get3A_260, %select_n3A_234 : vector<16xi1>, vector<16xf32>
    %jit3A_263 = arith.constant 29 : i32
    %broadcast_in_dim3A_264 = vector.broadcast %jit3A_263 : i32 to vector<16xi32>
    %select_n3A_265 = arith.select %gt3A_261, %broadcast_in_dim3A_264, %select_n3A_237 : vector<16xi1>, vector<16xi32>
    %get3A_266 = arith.constant 480 : index
    %get3A_267 = tpu.vector_load %arg5[%get3A_266] {strides = array<i32>} : memref<512xf32, #tpu.memory_space<vmem>>, vector<16xf32>,
    %gt3A_268 = arith.cmpf ogt, %get3A_267, %select_n3A_241 : vector<16xf32>
    %select_n3A_269 = arith.select %gt3A_268, %get3A_267, %select_n3A_241 : vector<16xi1>, vector<16xf32>
    %jit3A_270 = arith.constant 30 : i32
    %broadcast_in_dim3A_271 = vector.broadcast %jit3A_270 : i32 to vector<16xi32>
    %select_n3A_272 = arith.select %gt3A_268, %broadcast_in_dim3A_271, %select_n3A_244 : vector<16xi1>, vector<16xi32>
    %get3A_273 = arith.constant 496 : index
    %get3A_274 = tpu.vector_load %arg5[%get3A_273] {strides = array<i32>} : memref<512xf32, #tpu.memory_space<vmem>>, vector<16xf32>,
    %gt3A_275 = arith.cmpf ogt, %get3A_274, %select_n3A_248 : vector<16xf32>
    %select_n3A_276 = arith.select %gt3A_275, %get3A_274, %select_n3A_248 : vector<16xi1>, vector<16xf32>
    %jit3A_277 = arith.constant 31 : i32
    %broadcast_in_dim3A_278 = vector.broadcast %jit3A_277 : i32 to vector<16xi32>
    %select_n3A_279 = arith.select %gt3A_275, %broadcast_in_dim3A_278, %select_n3A_251 : vector<16xi1>, vector<16xi32>
    %gt3A_280 = arith.cmpf ogt, %select_n3A_262, %select_n3A_255 : vector<16xf32>
    %eq3A_281 = arith.cmpf oeq, %select_n3A_262, %select_n3A_255 : vector<16xf32>
    %lt3A_282 = arith.cmpi slt, %select_n3A_265, %select_n3A_258 : vector<16xi32>
    %and3A_283 = arith.andi %eq3A_281, %lt3A_282 : vector<16xi1>
    %or3A = arith.ori %gt3A_280, %and3A_283 : vector<16xi1>
    %select_n3A_284 = arith.select %or3A, %select_n3A_262, %select_n3A_255 : vector<16xi1>, vector<16xf32>
    %select_n3A_285 = arith.select %or3A, %select_n3A_265, %select_n3A_258 : vector<16xi1>, vector<16xi32>
    %gt3A_286 = arith.cmpf ogt, %select_n3A_276, %select_n3A_269 : vector<16xf32>
    %eq3A_287 = arith.cmpf oeq, %select_n3A_276, %select_n3A_269 : vector<16xf32>
    %lt3A_288 = arith.cmpi slt, %select_n3A_279, %select_n3A_272 : vector<16xi32>
    %and3A_289 = arith.andi %eq3A_287, %lt3A_288 : vector<16xi1>
    %or3A_290 = arith.ori %gt3A_286, %and3A_289 : vector<16xi1>
    %select_n3A_291 = arith.select %or3A_290, %select_n3A_276, %select_n3A_269 : vector<16xi1>, vector<16xf32>
    %select_n3A_292 = arith.select %or3A_290, %select_n3A_279, %select_n3A_272 : vector<16xi1>, vector<16xi32>
    %gt3A_293 = arith.cmpf ogt, %select_n3A_291, %select_n3A_284 : vector<16xf32>
    %eq3A_294 = arith.cmpf oeq, %select_n3A_291, %select_n3A_284 : vector<16xf32>
    %lt3A_295 = arith.cmpi slt, %select_n3A_292, %select_n3A_285 : vector<16xi32>
    %and3A_296 = arith.andi %eq3A_294, %lt3A_295 : vector<16xi1>
    %or3A_297 = arith.ori %gt3A_293, %and3A_296 : vector<16xi1>
    %select_n3A_298 = arith.select %or3A_297, %select_n3A_291, %select_n3A_284 : vector<16xi1>, vector<16xf32>
    %select_n3A_299 = arith.select %or3A_297, %select_n3A_292, %select_n3A_285 : vector<16xi1>, vector<16xi32>
    %scan3A = arith.constant 0 : i32
    %scan3A_300 = arith.constant 32 : i32
    %scan3A_301 = arith.addi %scan3A, %scan3A_300 : i32
    %scan3A_302 = arith.constant 1 : i32
    %scan3A_303:2 = scf.for %scan3A_312 = %scan3A to %scan3A_301 step %scan3A_302 iter_args(%scan3A_313 = %select_n3A_298, %scan3A_314 = %select_n3A_299) -> (vector<16xf32>, vector<16xi32>)  : i32 {
      %xor3A = arith.constant 1 : i32
      %xor3A_315 = vector.broadcast %xor3A : i32 to vector<16xi32>
      %xor3A_316 = arith.xori %iota3A_39, %xor3A_315 : vector<16xi32>
      %broadcast_in_dim3A_317 = vector.shape_cast %xor3A_316 : vector<16xi32> to vector<16x1xi32>
      %gather3A = vector.shape_cast %broadcast_in_dim3A_317 : vector<16x1xi32> to vector<16xi32>
      %gather3A_318 = tpu.dynamic_gather %scan3A_313[%gather3A] in [0] : vector<16xf32>, vector<16xi32> -> vector<16xf32>
      %max3A = arith.maximumf %scan3A_313, %gather3A_318 : vector<16xf32>
      %xor3A_319 = arith.constant 2 : i32
      %xor3A_320 = vector.broadcast %xor3A_319 : i32 to vector<16xi32>
      %xor3A_321 = arith.xori %iota3A_39, %xor3A_320 : vector<16xi32>
      %broadcast_in_dim3A_322 = vector.shape_cast %xor3A_321 : vector<16xi32> to vector<16x1xi32>
      %gather3A_323 = vector.shape_cast %broadcast_in_dim3A_322 : vector<16x1xi32> to vector<16xi32>
      %gather3A_324 = tpu.dynamic_gather %max3A[%gather3A_323] in [0] : vector<16xf32>, vector<16xi32> -> vector<16xf32>
      %max3A_325 = arith.maximumf %max3A, %gather3A_324 : vector<16xf32>
      %xor3A_326 = arith.constant 4 : i32
      %xor3A_327 = vector.broadcast %xor3A_326 : i32 to vector<16xi32>
      %xor3A_328 = arith.xori %iota3A_39, %xor3A_327 : vector<16xi32>
      %broadcast_in_dim3A_329 = vector.shape_cast %xor3A_328 : vector<16xi32> to vector<16x1xi32>
      %gather3A_330 = vector.shape_cast %broadcast_in_dim3A_329 : vector<16x1xi32> to vector<16xi32>
      %gather3A_331 = tpu.dynamic_gather %max3A_325[%gather3A_330] in [0] : vector<16xf32>, vector<16xi32> -> vector<16xf32>
      %max3A_332 = arith.maximumf %max3A_325, %gather3A_331 : vector<16xf32>
      %xor3A_333 = arith.constant 8 : i32
      %xor3A_334 = vector.broadcast %xor3A_333 : i32 to vector<16xi32>
      %xor3A_335 = arith.xori %iota3A_39, %xor3A_334 : vector<16xi32>
      %broadcast_in_dim3A_336 = vector.shape_cast %xor3A_335 : vector<16xi32> to vector<16x1xi32>
      %gather3A_337 = vector.shape_cast %broadcast_in_dim3A_336 : vector<16x1xi32> to vector<16xi32>
      %gather3A_338 = tpu.dynamic_gather %max3A_332[%gather3A_337] in [0] : vector<16xf32>, vector<16xi32> -> vector<16xf32>
      %max3A_339 = arith.maximumf %max3A_332, %gather3A_338 : vector<16xf32>
      %mul3A_340 = arith.constant 16 : i32
      %mul3A_341 = vector.broadcast %mul3A_340 : i32 to vector<16xi32>
      %mul3A_342 = arith.muli %scan3A_314, %mul3A_341 : vector<16xi32>
      %add3A_343 = arith.addi %mul3A_342, %iota3A_39 : vector<16xi32>
      %eq3A_344 = arith.cmpf oeq, %scan3A_313, %max3A_339 : vector<16xf32>
      %jit3A_345 = arith.constant 512 : i32
      %broadcast_in_dim3A_346 = vector.broadcast %jit3A_345 : i32 to vector<16xi32>
      %select_n3A_347 = arith.select %eq3A_344, %add3A_343, %broadcast_in_dim3A_346 : vector<16xi1>, vector<16xi32>
      %xor3A_348 = arith.constant 1 : i32
      %xor3A_349 = vector.broadcast %xor3A_348 : i32 to vector<16xi32>
      %xor3A_350 = arith.xori %iota3A_39, %xor3A_349 : vector<16xi32>
      %broadcast_in_dim3A_351 = vector.shape_cast %xor3A_350 : vector<16xi32> to vector<16x1xi32>
      %gather3A_352 = vector.shape_cast %broadcast_in_dim3A_351 : vector<16x1xi32> to vector<16xi32>
      %gather3A_353 = tpu.dynamic_gather %select_n3A_347[%gather3A_352] in [0] : vector<16xi32>, vector<16xi32> -> vector<16xi32>
      %min3A = arith.minsi %select_n3A_347, %gather3A_353 : vector<16xi32>
      %xor3A_354 = arith.constant 2 : i32
      %xor3A_355 = vector.broadcast %xor3A_354 : i32 to vector<16xi32>
      %xor3A_356 = arith.xori %iota3A_39, %xor3A_355 : vector<16xi32>
      %broadcast_in_dim3A_357 = vector.shape_cast %xor3A_356 : vector<16xi32> to vector<16x1xi32>
      %gather3A_358 = vector.shape_cast %broadcast_in_dim3A_357 : vector<16x1xi32> to vector<16xi32>
      %gather3A_359 = tpu.dynamic_gather %min3A[%gather3A_358] in [0] : vector<16xi32>, vector<16xi32> -> vector<16xi32>
      %min3A_360 = arith.minsi %min3A, %gather3A_359 : vector<16xi32>
      %xor3A_361 = arith.constant 4 : i32
      %xor3A_362 = vector.broadcast %xor3A_361 : i32 to vector<16xi32>
      %xor3A_363 = arith.xori %iota3A_39, %xor3A_362 : vector<16xi32>
      %broadcast_in_dim3A_364 = vector.shape_cast %xor3A_363 : vector<16xi32> to vector<16x1xi32>
      %gather3A_365 = vector.shape_cast %broadcast_in_dim3A_364 : vector<16x1xi32> to vector<16xi32>
      %gather3A_366 = tpu.dynamic_gather %min3A_360[%gather3A_365] in [0] : vector<16xi32>, vector<16xi32> -> vector<16xi32>
      %min3A_367 = arith.minsi %min3A_360, %gather3A_366 : vector<16xi32>
      %xor3A_368 = arith.constant 8 : i32
      %xor3A_369 = vector.broadcast %xor3A_368 : i32 to vector<16xi32>
      %xor3A_370 = arith.xori %iota3A_39, %xor3A_369 : vector<16xi32>
      %broadcast_in_dim3A_371 = vector.shape_cast %xor3A_370 : vector<16xi32> to vector<16x1xi32>
      %gather3A_372 = vector.shape_cast %broadcast_in_dim3A_371 : vector<16x1xi32> to vector<16xi32>
      %gather3A_373 = tpu.dynamic_gather %min3A_367[%gather3A_372] in [0] : vector<16xi32>, vector<16xi32> -> vector<16xi32>
      %min3A_374 = arith.minsi %min3A_367, %gather3A_373 : vector<16xi32>
      %broadcast_in_dim3A_375 = vector.broadcast %scan3A_312 : i32 to vector<16xi32>
      tpu.vector_store_idx %arg6[%broadcast_in_dim3A_375], %max3A_339 masked %eq3A_38 : memref<32xf32, #tpu.memory_space<vmem>>[vector<16xi32>], vector<16xf32>, vector<16xi1>
      %add3A_376 = vector.broadcast %add3A_35 : i32 to vector<16xi32>
      %add3A_377 = arith.addi %add3A_376, %min3A_374 : vector<16xi32>
      tpu.vector_store_idx %arg7[%broadcast_in_dim3A_375], %add3A_377 masked %eq3A_38 : memref<32xi32, #tpu.memory_space<vmem>>[vector<16xi32>], vector<16xi32>, vector<16xi1>
      %and3A_378 = arith.constant 15 : i32
      %and3A_379 = vector.broadcast %and3A_378 : i32 to vector<16xi32>
      %and3A_380 = arith.andi %min3A_374, %and3A_379 : vector<16xi32>
      %shift_right_arithmetic3A = arith.constant 4 : i32
      %shift_right_arithmetic3A_381 = vector.broadcast %shift_right_arithmetic3A : i32 to vector<16xi32>
      %shift_right_arithmetic3A_382 = arith.shrsi %min3A_374, %shift_right_arithmetic3A_381 : vector<16xi32>
      %add3A_383 = arith.constant 0 : i32
      %add3A_384 = vector.broadcast %add3A_383 : i32 to vector<16xi32>
      %add3A_385 = arith.addi %iota3A_39, %add3A_384 : vector<16xi32>
      %mul3A_386 = arith.constant 16 : i32
      %mul3A_387 = vector.broadcast %mul3A_386 : i32 to vector<16xi32>
      %mul3A_388 = arith.muli %add3A_385, %mul3A_387 : vector<16xi32>
      %add3A_389 = arith.addi %mul3A_388, %and3A_380 : vector<16xi32>
      %gather3A_390 = tpu.vector_load_idx %arg5[%add3A_389] : memref<512xf32, #tpu.memory_space<vmem>>[vector<16xi32>], vector<16xf32>,
      %sub3A_391 = arith.constant 0 : i32
      %sub3A_392 = vector.broadcast %sub3A_391 : i32 to vector<16xi32>
      %sub3A_393 = arith.subi %shift_right_arithmetic3A_382, %sub3A_392 : vector<16xi32>
      %eq3A_394 = arith.cmpi eq, %iota3A_39, %sub3A_393 : vector<16xi32>
      %jit3A_395 = arith.constant -3.000000e+38 : f32
      %broadcast_in_dim3A_396 = vector.broadcast %jit3A_395 : f32 to vector<16xf32>
      %select_n3A_397 = arith.select %eq3A_394, %broadcast_in_dim3A_396, %gather3A_390 : vector<16xi1>, vector<16xf32>
      %add3A_398 = arith.constant 0 : i32
      %add3A_399 = vector.broadcast %add3A_398 : i32 to vector<16xi32>
      %add3A_400 = arith.addi %iota3A_39, %add3A_399 : vector<16xi32>
      %add3A_401 = arith.constant 16 : i32
      %add3A_402 = vector.broadcast %add3A_401 : i32 to vector<16xi32>
      %add3A_403 = arith.addi %iota3A_39, %add3A_402 : vector<16xi32>
      %mul3A_404 = arith.constant 16 : i32
      %mul3A_405 = vector.broadcast %mul3A_404 : i32 to vector<16xi32>
      %mul3A_406 = arith.muli %add3A_403, %mul3A_405 : vector<16xi32>
      %add3A_407 = arith.addi %mul3A_406, %and3A_380 : vector<16xi32>
      %gather3A_408 = tpu.vector_load_idx %arg5[%add3A_407] : memref<512xf32, #tpu.memory_space<vmem>>[vector<16xi32>], vector<16xf32>,
      %sub3A_409 = arith.constant 16 : i32
      %sub3A_410 = vector.broadcast %sub3A_409 : i32 to vector<16xi32>
      %sub3A_411 = arith.subi %shift_right_arithmetic3A_382, %sub3A_410 : vector<16xi32>
      %eq3A_412 = arith.cmpi eq, %iota3A_39, %sub3A_411 : vector<16xi32>
      %jit3A_413 = arith.constant -3.000000e+38 : f32
      %broadcast_in_dim3A_414 = vector.broadcast %jit3A_413 : f32 to vector<16xf32>
      %select_n3A_415 = arith.select %eq3A_412, %broadcast_in_dim3A_414, %gather3A_408 : vector<16xi1>, vector<16xf32>
      %add3A_416 = arith.constant 16 : i32
      %add3A_417 = vector.broadcast %add3A_416 : i32 to vector<16xi32>
      %add3A_418 = arith.addi %iota3A_39, %add3A_417 : vector<16xi32>
      %gt3A_419 = arith.cmpf ogt, %select_n3A_415, %select_n3A_397 : vector<16xf32>
      %eq3A_420 = arith.cmpf oeq, %select_n3A_415, %select_n3A_397 : vector<16xf32>
      %lt3A_421 = arith.cmpi slt, %add3A_418, %add3A_400 : vector<16xi32>
      %and3A_422 = arith.andi %eq3A_420, %lt3A_421 : vector<16xi1>
      %or3A_423 = arith.ori %gt3A_419, %and3A_422 : vector<16xi1>
      %select_n3A_424 = arith.select %or3A_423, %select_n3A_415, %select_n3A_397 : vector<16xi1>, vector<16xf32>
      %select_n3A_425 = arith.select %or3A_423, %add3A_418, %add3A_400 : vector<16xi1>, vector<16xi32>
      %broadcast_in_dim3A_426 = arith.constant -3.000000e+38 : f32
      %broadcast_in_dim3A_427 = vector.broadcast %broadcast_in_dim3A_426 : f32 to vector<16xf32>
      tpu.vector_store_idx %arg5[%min3A_374], %broadcast_in_dim3A_427 masked %eq3A_42 : memref<512xf32, #tpu.memory_space<vmem>>[vector<16xi32>], vector<16xf32>, vector<16xi1>
      %xor3A_428 = arith.constant 1 : i32
      %xor3A_429 = vector.broadcast %xor3A_428 : i32 to vector<16xi32>
      %xor3A_430 = arith.xori %iota3A_39, %xor3A_429 : vector<16xi32>
      %broadcast_in_dim3A_431 = vector.shape_cast %xor3A_430 : vector<16xi32> to vector<16x1xi32>
      %gather3A_432 = vector.shape_cast %broadcast_in_dim3A_431 : vector<16x1xi32> to vector<16xi32>
      %gather3A_433 = tpu.dynamic_gather %select_n3A_424[%gather3A_432] in [0] : vector<16xf32>, vector<16xi32> -> vector<16xf32>
      %max3A_434 = arith.maximumf %select_n3A_424, %gather3A_433 : vector<16xf32>
      %xor3A_435 = arith.constant 2 : i32
      %xor3A_436 = vector.broadcast %xor3A_435 : i32 to vector<16xi32>
      %xor3A_437 = arith.xori %iota3A_39, %xor3A_436 : vector<16xi32>
      %broadcast_in_dim3A_438 = vector.shape_cast %xor3A_437 : vector<16xi32> to vector<16x1xi32>
      %gather3A_439 = vector.shape_cast %broadcast_in_dim3A_438 : vector<16x1xi32> to vector<16xi32>
      %gather3A_440 = tpu.dynamic_gather %max3A_434[%gather3A_439] in [0] : vector<16xf32>, vector<16xi32> -> vector<16xf32>
      %max3A_441 = arith.maximumf %max3A_434, %gather3A_440 : vector<16xf32>
      %xor3A_442 = arith.constant 4 : i32
      %xor3A_443 = vector.broadcast %xor3A_442 : i32 to vector<16xi32>
      %xor3A_444 = arith.xori %iota3A_39, %xor3A_443 : vector<16xi32>
      %broadcast_in_dim3A_445 = vector.shape_cast %xor3A_444 : vector<16xi32> to vector<16x1xi32>
      %gather3A_446 = vector.shape_cast %broadcast_in_dim3A_445 : vector<16x1xi32> to vector<16xi32>
      %gather3A_447 = tpu.dynamic_gather %max3A_441[%gather3A_446] in [0] : vector<16xf32>, vector<16xi32> -> vector<16xf32>
      %max3A_448 = arith.maximumf %max3A_441, %gather3A_447 : vector<16xf32>
      %xor3A_449 = arith.constant 8 : i32
      %xor3A_450 = vector.broadcast %xor3A_449 : i32 to vector<16xi32>
      %xor3A_451 = arith.xori %iota3A_39, %xor3A_450 : vector<16xi32>
      %broadcast_in_dim3A_452 = vector.shape_cast %xor3A_451 : vector<16xi32> to vector<16x1xi32>
      %gather3A_453 = vector.shape_cast %broadcast_in_dim3A_452 : vector<16x1xi32> to vector<16xi32>
      %gather3A_454 = tpu.dynamic_gather %max3A_448[%gather3A_453] in [0] : vector<16xf32>, vector<16xi32> -> vector<16xf32>
      %max3A_455 = arith.maximumf %max3A_448, %gather3A_454 : vector<16xf32>
      %eq3A_456 = arith.cmpf oeq, %select_n3A_424, %max3A_455 : vector<16xf32>
      %jit3A_457 = arith.constant 32 : i32
      %broadcast_in_dim3A_458 = vector.broadcast %jit3A_457 : i32 to vector<16xi32>
      %select_n3A_459 = arith.select %eq3A_456, %select_n3A_425, %broadcast_in_dim3A_458 : vector<16xi1>, vector<16xi32>
      %xor3A_460 = arith.constant 1 : i32
      %xor3A_461 = vector.broadcast %xor3A_460 : i32 to vector<16xi32>
      %xor3A_462 = arith.xori %iota3A_39, %xor3A_461 : vector<16xi32>
      %broadcast_in_dim3A_463 = vector.shape_cast %xor3A_462 : vector<16xi32> to vector<16x1xi32>
      %gather3A_464 = vector.shape_cast %broadcast_in_dim3A_463 : vector<16x1xi32> to vector<16xi32>
      %gather3A_465 = tpu.dynamic_gather %select_n3A_459[%gather3A_464] in [0] : vector<16xi32>, vector<16xi32> -> vector<16xi32>
      %min3A_466 = arith.minsi %select_n3A_459, %gather3A_465 : vector<16xi32>
      %xor3A_467 = arith.constant 2 : i32
      %xor3A_468 = vector.broadcast %xor3A_467 : i32 to vector<16xi32>
      %xor3A_469 = arith.xori %iota3A_39, %xor3A_468 : vector<16xi32>
      %broadcast_in_dim3A_470 = vector.shape_cast %xor3A_469 : vector<16xi32> to vector<16x1xi32>
      %gather3A_471 = vector.shape_cast %broadcast_in_dim3A_470 : vector<16x1xi32> to vector<16xi32>
      %gather3A_472 = tpu.dynamic_gather %min3A_466[%gather3A_471] in [0] : vector<16xi32>, vector<16xi32> -> vector<16xi32>
      %min3A_473 = arith.minsi %min3A_466, %gather3A_472 : vector<16xi32>
      %xor3A_474 = arith.constant 4 : i32
      %xor3A_475 = vector.broadcast %xor3A_474 : i32 to vector<16xi32>
      %xor3A_476 = arith.xori %iota3A_39, %xor3A_475 : vector<16xi32>
      %broadcast_in_dim3A_477 = vector.shape_cast %xor3A_476 : vector<16xi32> to vector<16x1xi32>
      %gather3A_478 = vector.shape_cast %broadcast_in_dim3A_477 : vector<16x1xi32> to vector<16xi32>
      %gather3A_479 = tpu.dynamic_gather %min3A_473[%gather3A_478] in [0] : vector<16xi32>, vector<16xi32> -> vector<16xi32>
      %min3A_480 = arith.minsi %min3A_473, %gather3A_479 : vector<16xi32>
      %xor3A_481 = arith.constant 8 : i32
      %xor3A_482 = vector.broadcast %xor3A_481 : i32 to vector<16xi32>
      %xor3A_483 = arith.xori %iota3A_39, %xor3A_482 : vector<16xi32>
      %broadcast_in_dim3A_484 = vector.shape_cast %xor3A_483 : vector<16xi32> to vector<16x1xi32>
      %gather3A_485 = vector.shape_cast %broadcast_in_dim3A_484 : vector<16x1xi32> to vector<16xi32>
      %gather3A_486 = tpu.dynamic_gather %min3A_480[%gather3A_485] in [0] : vector<16xi32>, vector<16xi32> -> vector<16xi32>
      %min3A_487 = arith.minsi %min3A_480, %gather3A_486 : vector<16xi32>
      %eq3A_488 = arith.cmpi eq, %iota3A_39, %and3A_380 : vector<16xi32>
      %select_n3A_489 = arith.select %eq3A_488, %max3A_455, %scan3A_313 : vector<16xi1>, vector<16xf32>
      %select_n3A_490 = arith.select %eq3A_488, %min3A_487, %scan3A_314 : vector<16xi1>, vector<16xi32>
      scf.yield %select_n3A_489, %select_n3A_490 : vector<16xf32>, vector<16xi32>
    }
    %scan3A_304 = arith.constant 32 : i32
    %mul3A_305 = arith.constant 32 : i32
    %mul3A_306 = arith.muli %select_n3A_30, %mul3A_305 : i32
    "tpu.region"() ({
      %run_scoped3A = tpu.sem_alloc : memref<!tpu.dma_semaphore, #tpu.memory_space<semaphore_mem>>
      %dma_start3A = tpu.memref_slice %arg12[%select_n3A, %mul3A_306] : memref<2x256xf32, #tpu.memory_space<vmem_shared>> -> memref<1x32xf32, #tpu.memory_space<vmem_shared>>
      %dma_start3A_312 = tpu.memref_squeeze %dma_start3A : memref<1x32xf32, #tpu.memory_space<vmem_shared>> -> memref<32xf32, #tpu.memory_space<vmem_shared>>
      %dma_start3A_313 = tpu.memref_slice %arg12[%select_n3A, %mul3A_306] : memref<2x256xf32, #tpu.memory_space<vmem_shared>> -> memref<1x32xf32, #tpu.memory_space<vmem_shared>>
      %dma_start3A_314 = tpu.memref_squeeze %dma_start3A_313 : memref<1x32xf32, #tpu.memory_space<vmem_shared>> -> memref<32xf32, #tpu.memory_space<vmem_shared>>
      tpu.enqueue_dma source(%arg6 : memref<32xf32, #tpu.memory_space<vmem>>) target(%dma_start3A_314 : memref<32xf32, #tpu.memory_space<vmem_shared>>) target_semaphore(%run_scoped3A : memref<!tpu.dma_semaphore, #tpu.memory_space<semaphore_mem>>)
      %dma_wait3A = tpu.memref_slice %arg12[%select_n3A, %mul3A_306] : memref<2x256xf32, #tpu.memory_space<vmem_shared>> -> memref<1x32xf32, #tpu.memory_space<vmem_shared>>
      %dma_wait3A_315 = tpu.memref_squeeze %dma_wait3A : memref<1x32xf32, #tpu.memory_space<vmem_shared>> -> memref<32xf32, #tpu.memory_space<vmem_shared>>
      %dma_wait3A_316 = tpu.memref_slice %arg12[%select_n3A, %mul3A_306] : memref<2x256xf32, #tpu.memory_space<vmem_shared>> -> memref<1x32xf32, #tpu.memory_space<vmem_shared>>
      %dma_wait3A_317 = tpu.memref_squeeze %dma_wait3A_316 : memref<1x32xf32, #tpu.memory_space<vmem_shared>> -> memref<32xf32, #tpu.memory_space<vmem_shared>>
      tpu.wait_dma2 semaphore(%run_scoped3A : memref<!tpu.dma_semaphore, #tpu.memory_space<semaphore_mem>>) src(%arg6 : memref<32xf32, #tpu.memory_space<vmem>>) dst(%dma_wait3A_317 : memref<32xf32, #tpu.memory_space<vmem_shared>>)
      tpu.yield
    }) : () -> ()
    %mul3A_307 = arith.constant 32 : i32
    %mul3A_308 = arith.muli %select_n3A_30, %mul3A_307 : i32
    "tpu.region"() ({
      %run_scoped3A = tpu.sem_alloc : memref<!tpu.dma_semaphore, #tpu.memory_space<semaphore_mem>>
      %dma_start3A = tpu.memref_slice %arg13[%select_n3A, %mul3A_308] : memref<2x256xi32, #tpu.memory_space<vmem_shared>> -> memref<1x32xi32, #tpu.memory_space<vmem_shared>>
      %dma_start3A_312 = tpu.memref_squeeze %dma_start3A : memref<1x32xi32, #tpu.memory_space<vmem_shared>> -> memref<32xi32, #tpu.memory_space<vmem_shared>>
      %dma_start3A_313 = tpu.memref_slice %arg13[%select_n3A, %mul3A_308] : memref<2x256xi32, #tpu.memory_space<vmem_shared>> -> memref<1x32xi32, #tpu.memory_space<vmem_shared>>
      %dma_start3A_314 = tpu.memref_squeeze %dma_start3A_313 : memref<1x32xi32, #tpu.memory_space<vmem_shared>> -> memref<32xi32, #tpu.memory_space<vmem_shared>>
      tpu.enqueue_dma source(%arg7 : memref<32xi32, #tpu.memory_space<vmem>>) target(%dma_start3A_314 : memref<32xi32, #tpu.memory_space<vmem_shared>>) target_semaphore(%run_scoped3A : memref<!tpu.dma_semaphore, #tpu.memory_space<semaphore_mem>>)
      %dma_wait3A = tpu.memref_slice %arg13[%select_n3A, %mul3A_308] : memref<2x256xi32, #tpu.memory_space<vmem_shared>> -> memref<1x32xi32, #tpu.memory_space<vmem_shared>>
      %dma_wait3A_315 = tpu.memref_squeeze %dma_wait3A : memref<1x32xi32, #tpu.memory_space<vmem_shared>> -> memref<32xi32, #tpu.memory_space<vmem_shared>>
      %dma_wait3A_316 = tpu.memref_slice %arg13[%select_n3A, %mul3A_308] : memref<2x256xi32, #tpu.memory_space<vmem_shared>> -> memref<1x32xi32, #tpu.memory_space<vmem_shared>>
      %dma_wait3A_317 = tpu.memref_squeeze %dma_wait3A_316 : memref<1x32xi32, #tpu.memory_space<vmem_shared>> -> memref<32xi32, #tpu.memory_space<vmem_shared>>
      tpu.wait_dma2 semaphore(%run_scoped3A : memref<!tpu.dma_semaphore, #tpu.memory_space<semaphore_mem>>) src(%arg7 : memref<32xi32, #tpu.memory_space<vmem>>) dst(%dma_wait3A_317 : memref<32xi32, #tpu.memory_space<vmem_shared>>)
      tpu.yield
    }) : () -> ()
    %barrier3A = arith.constant 0 : index
    tpu.barrier barrier_id(%barrier3A)
    %eq3A_309 = arith.constant 0 : i32
    %eq3A_310 = arith.cmpi eq, %select_n3A_30, %eq3A_309 : i32
    %convert_element_type3A = arith.extui %eq3A_310 : i1 to i32
    %cond3A = arith.constant 0 : i32
    %cond3A_311 = arith.cmpi ne, %convert_element_type3A, %cond3A : i32
    scf.if %cond3A_311 {
      "tpu.region"() ({
        %run_scoped3A = tpu.sem_alloc : memref<!tpu.dma_semaphore, #tpu.memory_space<semaphore_mem>>
        %dma_start3A_477 = arith.constant 0 : i32
        %dma_start3A_478 = tpu.memref_slice %arg12[%select_n3A, %dma_start3A_477] : memref<2x256xf32, #tpu.memory_space<vmem_shared>> -> memref<1x256xf32, #tpu.memory_space<vmem_shared>>
        %dma_start3A_479 = tpu.memref_squeeze %dma_start3A_478 : memref<1x256xf32, #tpu.memory_space<vmem_shared>> -> memref<256xf32, #tpu.memory_space<vmem_shared>>
        %dma_start3A_480 = arith.constant 0 : i32
        %dma_start3A_481 = tpu.memref_slice %arg12[%select_n3A, %dma_start3A_480] : memref<2x256xf32, #tpu.memory_space<vmem_shared>> -> memref<1x256xf32, #tpu.memory_space<vmem_shared>>
        %dma_start3A_482 = tpu.memref_squeeze %dma_start3A_481 : memref<1x256xf32, #tpu.memory_space<vmem_shared>> -> memref<256xf32, #tpu.memory_space<vmem_shared>>
        tpu.enqueue_dma source(%dma_start3A_482 : memref<256xf32, #tpu.memory_space<vmem_shared>>) target(%arg8 : memref<256xf32, #tpu.memory_space<vmem>>) target_semaphore(%run_scoped3A : memref<!tpu.dma_semaphore, #tpu.memory_space<semaphore_mem>>)
        %dma_wait3A_483 = arith.constant 0 : i32
        %dma_wait3A_484 = tpu.memref_slice %arg12[%select_n3A, %dma_wait3A_483] : memref<2x256xf32, #tpu.memory_space<vmem_shared>> -> memref<1x256xf32, #tpu.memory_space<vmem_shared>>
        %dma_wait3A_485 = tpu.memref_squeeze %dma_wait3A_484 : memref<1x256xf32, #tpu.memory_space<vmem_shared>> -> memref<256xf32, #tpu.memory_space<vmem_shared>>
        %dma_wait3A_486 = arith.constant 0 : i32
        %dma_wait3A_487 = tpu.memref_slice %arg12[%select_n3A, %dma_wait3A_486] : memref<2x256xf32, #tpu.memory_space<vmem_shared>> -> memref<1x256xf32, #tpu.memory_space<vmem_shared>>
        %dma_wait3A_488 = tpu.memref_squeeze %dma_wait3A_487 : memref<1x256xf32, #tpu.memory_space<vmem_shared>> -> memref<256xf32, #tpu.memory_space<vmem_shared>>
        tpu.wait_dma2 semaphore(%run_scoped3A : memref<!tpu.dma_semaphore, #tpu.memory_space<semaphore_mem>>) src(%dma_wait3A_488 : memref<256xf32, #tpu.memory_space<vmem_shared>>) dst(%arg8 : memref<256xf32, #tpu.memory_space<vmem>>)
        tpu.yield
      }) : () -> ()
      "tpu.region"() ({
        %run_scoped3A = tpu.sem_alloc : memref<!tpu.dma_semaphore, #tpu.memory_space<semaphore_mem>>
        %dma_start3A_477 = arith.constant 0 : i32
        %dma_start3A_478 = tpu.memref_slice %arg13[%select_n3A, %dma_start3A_477] : memref<2x256xi32, #tpu.memory_space<vmem_shared>> -> memref<1x256xi32, #tpu.memory_space<vmem_shared>>
        %dma_start3A_479 = tpu.memref_squeeze %dma_start3A_478 : memref<1x256xi32, #tpu.memory_space<vmem_shared>> -> memref<256xi32, #tpu.memory_space<vmem_shared>>
        %dma_start3A_480 = arith.constant 0 : i32
        %dma_start3A_481 = tpu.memref_slice %arg13[%select_n3A, %dma_start3A_480] : memref<2x256xi32, #tpu.memory_space<vmem_shared>> -> memref<1x256xi32, #tpu.memory_space<vmem_shared>>
        %dma_start3A_482 = tpu.memref_squeeze %dma_start3A_481 : memref<1x256xi32, #tpu.memory_space<vmem_shared>> -> memref<256xi32, #tpu.memory_space<vmem_shared>>
        tpu.enqueue_dma source(%dma_start3A_482 : memref<256xi32, #tpu.memory_space<vmem_shared>>) target(%arg9 : memref<256xi32, #tpu.memory_space<vmem>>) target_semaphore(%run_scoped3A : memref<!tpu.dma_semaphore, #tpu.memory_space<semaphore_mem>>)
        %dma_wait3A_483 = arith.constant 0 : i32
        %dma_wait3A_484 = tpu.memref_slice %arg13[%select_n3A, %dma_wait3A_483] : memref<2x256xi32, #tpu.memory_space<vmem_shared>> -> memref<1x256xi32, #tpu.memory_space<vmem_shared>>
        %dma_wait3A_485 = tpu.memref_squeeze %dma_wait3A_484 : memref<1x256xi32, #tpu.memory_space<vmem_shared>> -> memref<256xi32, #tpu.memory_space<vmem_shared>>
        %dma_wait3A_486 = arith.constant 0 : i32
        %dma_wait3A_487 = tpu.memref_slice %arg13[%select_n3A, %dma_wait3A_486] : memref<2x256xi32, #tpu.memory_space<vmem_shared>> -> memref<1x256xi32, #tpu.memory_space<vmem_shared>>
        %dma_wait3A_488 = tpu.memref_squeeze %dma_wait3A_487 : memref<1x256xi32, #tpu.memory_space<vmem_shared>> -> memref<256xi32, #tpu.memory_space<vmem_shared>>
        tpu.wait_dma2 semaphore(%run_scoped3A : memref<!tpu.dma_semaphore, #tpu.memory_space<semaphore_mem>>) src(%dma_wait3A_488 : memref<256xi32, #tpu.memory_space<vmem_shared>>) dst(%arg9 : memref<256xi32, #tpu.memory_space<vmem>>)
        tpu.yield
      }) : () -> ()
      %iota3A_312 = tpu.iota {dimensions = array<i32: 0>} : vector<16xi32>
      %eq3A_313 = arith.constant 0 : i32
      %eq3A_314 = vector.broadcast %eq3A_313 : i32 to vector<16xi32>
      %eq3A_315 = arith.cmpi eq, %iota3A_312, %eq3A_314 : vector<16xi32>
      %broadcast_in_dim3A_316 = arith.constant -3.000000e+38 : f32
      %broadcast_in_dim3A_317 = vector.broadcast %broadcast_in_dim3A_316 : f32 to vector<16xf32>
      %broadcast_in_dim3A_318 = arith.constant -3.000000e+38 : f32
      %broadcast_in_dim3A_319 = vector.broadcast %broadcast_in_dim3A_318 : f32 to vector<16xf32>
      %broadcast_in_dim3A_320 = arith.constant -3.000000e+38 : f32
      %broadcast_in_dim3A_321 = vector.broadcast %broadcast_in_dim3A_320 : f32 to vector<16xf32>
      %broadcast_in_dim3A_322 = arith.constant -3.000000e+38 : f32
      %broadcast_in_dim3A_323 = vector.broadcast %broadcast_in_dim3A_322 : f32 to vector<16xf32>
      %broadcast_in_dim3A_324 = arith.constant 0 : i32
      %broadcast_in_dim3A_325 = vector.broadcast %broadcast_in_dim3A_324 : i32 to vector<16xi32>
      %broadcast_in_dim3A_326 = arith.constant 0 : i32
      %broadcast_in_dim3A_327 = vector.broadcast %broadcast_in_dim3A_326 : i32 to vector<16xi32>
      %broadcast_in_dim3A_328 = arith.constant 0 : i32
      %broadcast_in_dim3A_329 = vector.broadcast %broadcast_in_dim3A_328 : i32 to vector<16xi32>
      %broadcast_in_dim3A_330 = arith.constant 0 : i32
      %broadcast_in_dim3A_331 = vector.broadcast %broadcast_in_dim3A_330 : i32 to vector<16xi32>
      %get3A_332 = arith.constant 0 : index
      %get3A_333 = tpu.vector_load %arg8[%get3A_332] {strides = array<i32>} : memref<256xf32, #tpu.memory_space<vmem>>, vector<16xf32>,
      %gt3A_334 = arith.cmpf ogt, %get3A_333, %broadcast_in_dim3A_317 : vector<16xf32>
      %select_n3A_335 = arith.select %gt3A_334, %get3A_333, %broadcast_in_dim3A_317 : vector<16xi1>, vector<16xf32>
      %jit3A_336 = arith.constant 0 : i32
      %broadcast_in_dim3A_337 = vector.broadcast %jit3A_336 : i32 to vector<16xi32>
      %select_n3A_338 = arith.select %gt3A_334, %broadcast_in_dim3A_337, %broadcast_in_dim3A_325 : vector<16xi1>, vector<16xi32>
      %get3A_339 = arith.constant 16 : index
      %get3A_340 = tpu.vector_load %arg8[%get3A_339] {strides = array<i32>} : memref<256xf32, #tpu.memory_space<vmem>>, vector<16xf32>,
      %gt3A_341 = arith.cmpf ogt, %get3A_340, %broadcast_in_dim3A_319 : vector<16xf32>
      %select_n3A_342 = arith.select %gt3A_341, %get3A_340, %broadcast_in_dim3A_319 : vector<16xi1>, vector<16xf32>
      %jit3A_343 = arith.constant 1 : i32
      %broadcast_in_dim3A_344 = vector.broadcast %jit3A_343 : i32 to vector<16xi32>
      %select_n3A_345 = arith.select %gt3A_341, %broadcast_in_dim3A_344, %broadcast_in_dim3A_327 : vector<16xi1>, vector<16xi32>
      %get3A_346 = arith.constant 32 : index
      %get3A_347 = tpu.vector_load %arg8[%get3A_346] {strides = array<i32>} : memref<256xf32, #tpu.memory_space<vmem>>, vector<16xf32>,
      %gt3A_348 = arith.cmpf ogt, %get3A_347, %broadcast_in_dim3A_321 : vector<16xf32>
      %select_n3A_349 = arith.select %gt3A_348, %get3A_347, %broadcast_in_dim3A_321 : vector<16xi1>, vector<16xf32>
      %jit3A_350 = arith.constant 2 : i32
      %broadcast_in_dim3A_351 = vector.broadcast %jit3A_350 : i32 to vector<16xi32>
      %select_n3A_352 = arith.select %gt3A_348, %broadcast_in_dim3A_351, %broadcast_in_dim3A_329 : vector<16xi1>, vector<16xi32>
      %get3A_353 = arith.constant 48 : index
      %get3A_354 = tpu.vector_load %arg8[%get3A_353] {strides = array<i32>} : memref<256xf32, #tpu.memory_space<vmem>>, vector<16xf32>,
      %gt3A_355 = arith.cmpf ogt, %get3A_354, %broadcast_in_dim3A_323 : vector<16xf32>
      %select_n3A_356 = arith.select %gt3A_355, %get3A_354, %broadcast_in_dim3A_323 : vector<16xi1>, vector<16xf32>
      %jit3A_357 = arith.constant 3 : i32
      %broadcast_in_dim3A_358 = vector.broadcast %jit3A_357 : i32 to vector<16xi32>
      %select_n3A_359 = arith.select %gt3A_355, %broadcast_in_dim3A_358, %broadcast_in_dim3A_331 : vector<16xi1>, vector<16xi32>
      %get3A_360 = arith.constant 64 : index
      %get3A_361 = tpu.vector_load %arg8[%get3A_360] {strides = array<i32>} : memref<256xf32, #tpu.memory_space<vmem>>, vector<16xf32>,
      %gt3A_362 = arith.cmpf ogt, %get3A_361, %select_n3A_335 : vector<16xf32>
      %select_n3A_363 = arith.select %gt3A_362, %get3A_361, %select_n3A_335 : vector<16xi1>, vector<16xf32>
      %jit3A_364 = arith.constant 4 : i32
      %broadcast_in_dim3A_365 = vector.broadcast %jit3A_364 : i32 to vector<16xi32>
      %select_n3A_366 = arith.select %gt3A_362, %broadcast_in_dim3A_365, %select_n3A_338 : vector<16xi1>, vector<16xi32>
      %get3A_367 = arith.constant 80 : index
      %get3A_368 = tpu.vector_load %arg8[%get3A_367] {strides = array<i32>} : memref<256xf32, #tpu.memory_space<vmem>>, vector<16xf32>,
      %gt3A_369 = arith.cmpf ogt, %get3A_368, %select_n3A_342 : vector<16xf32>
      %select_n3A_370 = arith.select %gt3A_369, %get3A_368, %select_n3A_342 : vector<16xi1>, vector<16xf32>
      %jit3A_371 = arith.constant 5 : i32
      %broadcast_in_dim3A_372 = vector.broadcast %jit3A_371 : i32 to vector<16xi32>
      %select_n3A_373 = arith.select %gt3A_369, %broadcast_in_dim3A_372, %select_n3A_345 : vector<16xi1>, vector<16xi32>
      %get3A_374 = arith.constant 96 : index
      %get3A_375 = tpu.vector_load %arg8[%get3A_374] {strides = array<i32>} : memref<256xf32, #tpu.memory_space<vmem>>, vector<16xf32>,
      %gt3A_376 = arith.cmpf ogt, %get3A_375, %select_n3A_349 : vector<16xf32>
      %select_n3A_377 = arith.select %gt3A_376, %get3A_375, %select_n3A_349 : vector<16xi1>, vector<16xf32>
      %jit3A_378 = arith.constant 6 : i32
      %broadcast_in_dim3A_379 = vector.broadcast %jit3A_378 : i32 to vector<16xi32>
      %select_n3A_380 = arith.select %gt3A_376, %broadcast_in_dim3A_379, %select_n3A_352 : vector<16xi1>, vector<16xi32>
      %get3A_381 = arith.constant 112 : index
      %get3A_382 = tpu.vector_load %arg8[%get3A_381] {strides = array<i32>} : memref<256xf32, #tpu.memory_space<vmem>>, vector<16xf32>,
      %gt3A_383 = arith.cmpf ogt, %get3A_382, %select_n3A_356 : vector<16xf32>
      %select_n3A_384 = arith.select %gt3A_383, %get3A_382, %select_n3A_356 : vector<16xi1>, vector<16xf32>
      %jit3A_385 = arith.constant 7 : i32
      %broadcast_in_dim3A_386 = vector.broadcast %jit3A_385 : i32 to vector<16xi32>
      %select_n3A_387 = arith.select %gt3A_383, %broadcast_in_dim3A_386, %select_n3A_359 : vector<16xi1>, vector<16xi32>
      %get3A_388 = arith.constant 128 : index
      %get3A_389 = tpu.vector_load %arg8[%get3A_388] {strides = array<i32>} : memref<256xf32, #tpu.memory_space<vmem>>, vector<16xf32>,
      %gt3A_390 = arith.cmpf ogt, %get3A_389, %select_n3A_363 : vector<16xf32>
      %select_n3A_391 = arith.select %gt3A_390, %get3A_389, %select_n3A_363 : vector<16xi1>, vector<16xf32>
      %jit3A_392 = arith.constant 8 : i32
      %broadcast_in_dim3A_393 = vector.broadcast %jit3A_392 : i32 to vector<16xi32>
      %select_n3A_394 = arith.select %gt3A_390, %broadcast_in_dim3A_393, %select_n3A_366 : vector<16xi1>, vector<16xi32>
      %get3A_395 = arith.constant 144 : index
      %get3A_396 = tpu.vector_load %arg8[%get3A_395] {strides = array<i32>} : memref<256xf32, #tpu.memory_space<vmem>>, vector<16xf32>,
      %gt3A_397 = arith.cmpf ogt, %get3A_396, %select_n3A_370 : vector<16xf32>
      %select_n3A_398 = arith.select %gt3A_397, %get3A_396, %select_n3A_370 : vector<16xi1>, vector<16xf32>
      %jit3A_399 = arith.constant 9 : i32
      %broadcast_in_dim3A_400 = vector.broadcast %jit3A_399 : i32 to vector<16xi32>
      %select_n3A_401 = arith.select %gt3A_397, %broadcast_in_dim3A_400, %select_n3A_373 : vector<16xi1>, vector<16xi32>
      %get3A_402 = arith.constant 160 : index
      %get3A_403 = tpu.vector_load %arg8[%get3A_402] {strides = array<i32>} : memref<256xf32, #tpu.memory_space<vmem>>, vector<16xf32>,
      %gt3A_404 = arith.cmpf ogt, %get3A_403, %select_n3A_377 : vector<16xf32>
      %select_n3A_405 = arith.select %gt3A_404, %get3A_403, %select_n3A_377 : vector<16xi1>, vector<16xf32>
      %jit3A_406 = arith.constant 10 : i32
      %broadcast_in_dim3A_407 = vector.broadcast %jit3A_406 : i32 to vector<16xi32>
      %select_n3A_408 = arith.select %gt3A_404, %broadcast_in_dim3A_407, %select_n3A_380 : vector<16xi1>, vector<16xi32>
      %get3A_409 = arith.constant 176 : index
      %get3A_410 = tpu.vector_load %arg8[%get3A_409] {strides = array<i32>} : memref<256xf32, #tpu.memory_space<vmem>>, vector<16xf32>,
      %gt3A_411 = arith.cmpf ogt, %get3A_410, %select_n3A_384 : vector<16xf32>
      %select_n3A_412 = arith.select %gt3A_411, %get3A_410, %select_n3A_384 : vector<16xi1>, vector<16xf32>
      %jit3A_413 = arith.constant 11 : i32
      %broadcast_in_dim3A_414 = vector.broadcast %jit3A_413 : i32 to vector<16xi32>
      %select_n3A_415 = arith.select %gt3A_411, %broadcast_in_dim3A_414, %select_n3A_387 : vector<16xi1>, vector<16xi32>
      %get3A_416 = arith.constant 192 : index
      %get3A_417 = tpu.vector_load %arg8[%get3A_416] {strides = array<i32>} : memref<256xf32, #tpu.memory_space<vmem>>, vector<16xf32>,
      %gt3A_418 = arith.cmpf ogt, %get3A_417, %select_n3A_391 : vector<16xf32>
      %select_n3A_419 = arith.select %gt3A_418, %get3A_417, %select_n3A_391 : vector<16xi1>, vector<16xf32>
      %jit3A_420 = arith.constant 12 : i32
      %broadcast_in_dim3A_421 = vector.broadcast %jit3A_420 : i32 to vector<16xi32>
      %select_n3A_422 = arith.select %gt3A_418, %broadcast_in_dim3A_421, %select_n3A_394 : vector<16xi1>, vector<16xi32>
      %get3A_423 = arith.constant 208 : index
      %get3A_424 = tpu.vector_load %arg8[%get3A_423] {strides = array<i32>} : memref<256xf32, #tpu.memory_space<vmem>>, vector<16xf32>,
      %gt3A_425 = arith.cmpf ogt, %get3A_424, %select_n3A_398 : vector<16xf32>
      %select_n3A_426 = arith.select %gt3A_425, %get3A_424, %select_n3A_398 : vector<16xi1>, vector<16xf32>
      %jit3A_427 = arith.constant 13 : i32
      %broadcast_in_dim3A_428 = vector.broadcast %jit3A_427 : i32 to vector<16xi32>
      %select_n3A_429 = arith.select %gt3A_425, %broadcast_in_dim3A_428, %select_n3A_401 : vector<16xi1>, vector<16xi32>
      %get3A_430 = arith.constant 224 : index
      %get3A_431 = tpu.vector_load %arg8[%get3A_430] {strides = array<i32>} : memref<256xf32, #tpu.memory_space<vmem>>, vector<16xf32>,
      %gt3A_432 = arith.cmpf ogt, %get3A_431, %select_n3A_405 : vector<16xf32>
      %select_n3A_433 = arith.select %gt3A_432, %get3A_431, %select_n3A_405 : vector<16xi1>, vector<16xf32>
      %jit3A_434 = arith.constant 14 : i32
      %broadcast_in_dim3A_435 = vector.broadcast %jit3A_434 : i32 to vector<16xi32>
      %select_n3A_436 = arith.select %gt3A_432, %broadcast_in_dim3A_435, %select_n3A_408 : vector<16xi1>, vector<16xi32>
      %get3A_437 = arith.constant 240 : index
      %get3A_438 = tpu.vector_load %arg8[%get3A_437] {strides = array<i32>} : memref<256xf32, #tpu.memory_space<vmem>>, vector<16xf32>,
      %gt3A_439 = arith.cmpf ogt, %get3A_438, %select_n3A_412 : vector<16xf32>
      %select_n3A_440 = arith.select %gt3A_439, %get3A_438, %select_n3A_412 : vector<16xi1>, vector<16xf32>
      %jit3A_441 = arith.constant 15 : i32
      %broadcast_in_dim3A_442 = vector.broadcast %jit3A_441 : i32 to vector<16xi32>
      %select_n3A_443 = arith.select %gt3A_439, %broadcast_in_dim3A_442, %select_n3A_415 : vector<16xi1>, vector<16xi32>
      %gt3A_444 = arith.cmpf ogt, %select_n3A_426, %select_n3A_419 : vector<16xf32>
      %eq3A_445 = arith.cmpf oeq, %select_n3A_426, %select_n3A_419 : vector<16xf32>
      %lt3A_446 = arith.cmpi slt, %select_n3A_429, %select_n3A_422 : vector<16xi32>
      %and3A_447 = arith.andi %eq3A_445, %lt3A_446 : vector<16xi1>
      %or3A_448 = arith.ori %gt3A_444, %and3A_447 : vector<16xi1>
      %select_n3A_449 = arith.select %or3A_448, %select_n3A_426, %select_n3A_419 : vector<16xi1>, vector<16xf32>
      %select_n3A_450 = arith.select %or3A_448, %select_n3A_429, %select_n3A_422 : vector<16xi1>, vector<16xi32>
      %gt3A_451 = arith.cmpf ogt, %select_n3A_440, %select_n3A_433 : vector<16xf32>
      %eq3A_452 = arith.cmpf oeq, %select_n3A_440, %select_n3A_433 : vector<16xf32>
      %lt3A_453 = arith.cmpi slt, %select_n3A_443, %select_n3A_436 : vector<16xi32>
      %and3A_454 = arith.andi %eq3A_452, %lt3A_453 : vector<16xi1>
      %or3A_455 = arith.ori %gt3A_451, %and3A_454 : vector<16xi1>
      %select_n3A_456 = arith.select %or3A_455, %select_n3A_440, %select_n3A_433 : vector<16xi1>, vector<16xf32>
      %select_n3A_457 = arith.select %or3A_455, %select_n3A_443, %select_n3A_436 : vector<16xi1>, vector<16xi32>
      %gt3A_458 = arith.cmpf ogt, %select_n3A_456, %select_n3A_449 : vector<16xf32>
      %eq3A_459 = arith.cmpf oeq, %select_n3A_456, %select_n3A_449 : vector<16xf32>
      %lt3A_460 = arith.cmpi slt, %select_n3A_457, %select_n3A_450 : vector<16xi32>
      %and3A_461 = arith.andi %eq3A_459, %lt3A_460 : vector<16xi1>
      %or3A_462 = arith.ori %gt3A_458, %and3A_461 : vector<16xi1>
      %select_n3A_463 = arith.select %or3A_462, %select_n3A_456, %select_n3A_449 : vector<16xi1>, vector<16xf32>
      %select_n3A_464 = arith.select %or3A_462, %select_n3A_457, %select_n3A_450 : vector<16xi1>, vector<16xi32>
      %scan3A_465 = arith.constant 0 : i32
      %scan3A_466 = arith.constant 32 : i32
      %scan3A_467 = arith.addi %scan3A_465, %scan3A_466 : i32
      %scan3A_468 = arith.constant 1 : i32
      %scan3A_469:2 = scf.for %scan3A_477 = %scan3A_465 to %scan3A_467 step %scan3A_468 iter_args(%scan3A_478 = %select_n3A_463, %scan3A_479 = %select_n3A_464) -> (vector<16xf32>, vector<16xi32>)  : i32 {
        %xor3A = arith.constant 1 : i32
        %xor3A_480 = vector.broadcast %xor3A : i32 to vector<16xi32>
        %xor3A_481 = arith.xori %iota3A_312, %xor3A_480 : vector<16xi32>
        %broadcast_in_dim3A_482 = vector.shape_cast %xor3A_481 : vector<16xi32> to vector<16x1xi32>
        %gather3A = vector.shape_cast %broadcast_in_dim3A_482 : vector<16x1xi32> to vector<16xi32>
        %gather3A_483 = tpu.dynamic_gather %scan3A_478[%gather3A] in [0] : vector<16xf32>, vector<16xi32> -> vector<16xf32>
        %max3A = arith.maximumf %scan3A_478, %gather3A_483 : vector<16xf32>
        %xor3A_484 = arith.constant 2 : i32
        %xor3A_485 = vector.broadcast %xor3A_484 : i32 to vector<16xi32>
        %xor3A_486 = arith.xori %iota3A_312, %xor3A_485 : vector<16xi32>
        %broadcast_in_dim3A_487 = vector.shape_cast %xor3A_486 : vector<16xi32> to vector<16x1xi32>
        %gather3A_488 = vector.shape_cast %broadcast_in_dim3A_487 : vector<16x1xi32> to vector<16xi32>
        %gather3A_489 = tpu.dynamic_gather %max3A[%gather3A_488] in [0] : vector<16xf32>, vector<16xi32> -> vector<16xf32>
        %max3A_490 = arith.maximumf %max3A, %gather3A_489 : vector<16xf32>
        %xor3A_491 = arith.constant 4 : i32
        %xor3A_492 = vector.broadcast %xor3A_491 : i32 to vector<16xi32>
        %xor3A_493 = arith.xori %iota3A_312, %xor3A_492 : vector<16xi32>
        %broadcast_in_dim3A_494 = vector.shape_cast %xor3A_493 : vector<16xi32> to vector<16x1xi32>
        %gather3A_495 = vector.shape_cast %broadcast_in_dim3A_494 : vector<16x1xi32> to vector<16xi32>
        %gather3A_496 = tpu.dynamic_gather %max3A_490[%gather3A_495] in [0] : vector<16xf32>, vector<16xi32> -> vector<16xf32>
        %max3A_497 = arith.maximumf %max3A_490, %gather3A_496 : vector<16xf32>
        %xor3A_498 = arith.constant 8 : i32
        %xor3A_499 = vector.broadcast %xor3A_498 : i32 to vector<16xi32>
        %xor3A_500 = arith.xori %iota3A_312, %xor3A_499 : vector<16xi32>
        %broadcast_in_dim3A_501 = vector.shape_cast %xor3A_500 : vector<16xi32> to vector<16x1xi32>
        %gather3A_502 = vector.shape_cast %broadcast_in_dim3A_501 : vector<16x1xi32> to vector<16xi32>
        %gather3A_503 = tpu.dynamic_gather %max3A_497[%gather3A_502] in [0] : vector<16xf32>, vector<16xi32> -> vector<16xf32>
        %max3A_504 = arith.maximumf %max3A_497, %gather3A_503 : vector<16xf32>
        %mul3A_505 = arith.constant 16 : i32
        %mul3A_506 = vector.broadcast %mul3A_505 : i32 to vector<16xi32>
        %mul3A_507 = arith.muli %scan3A_479, %mul3A_506 : vector<16xi32>
        %add3A_508 = arith.addi %mul3A_507, %iota3A_312 : vector<16xi32>
        %eq3A_509 = arith.cmpf oeq, %scan3A_478, %max3A_504 : vector<16xf32>
        %jit3A_510 = arith.constant 256 : i32
        %broadcast_in_dim3A_511 = vector.broadcast %jit3A_510 : i32 to vector<16xi32>
        %select_n3A_512 = arith.select %eq3A_509, %add3A_508, %broadcast_in_dim3A_511 : vector<16xi1>, vector<16xi32>
        %xor3A_513 = arith.constant 1 : i32
        %xor3A_514 = vector.broadcast %xor3A_513 : i32 to vector<16xi32>
        %xor3A_515 = arith.xori %iota3A_312, %xor3A_514 : vector<16xi32>
        %broadcast_in_dim3A_516 = vector.shape_cast %xor3A_515 : vector<16xi32> to vector<16x1xi32>
        %gather3A_517 = vector.shape_cast %broadcast_in_dim3A_516 : vector<16x1xi32> to vector<16xi32>
        %gather3A_518 = tpu.dynamic_gather %select_n3A_512[%gather3A_517] in [0] : vector<16xi32>, vector<16xi32> -> vector<16xi32>
        %min3A = arith.minsi %select_n3A_512, %gather3A_518 : vector<16xi32>
        %xor3A_519 = arith.constant 2 : i32
        %xor3A_520 = vector.broadcast %xor3A_519 : i32 to vector<16xi32>
        %xor3A_521 = arith.xori %iota3A_312, %xor3A_520 : vector<16xi32>
        %broadcast_in_dim3A_522 = vector.shape_cast %xor3A_521 : vector<16xi32> to vector<16x1xi32>
        %gather3A_523 = vector.shape_cast %broadcast_in_dim3A_522 : vector<16x1xi32> to vector<16xi32>
        %gather3A_524 = tpu.dynamic_gather %min3A[%gather3A_523] in [0] : vector<16xi32>, vector<16xi32> -> vector<16xi32>
        %min3A_525 = arith.minsi %min3A, %gather3A_524 : vector<16xi32>
        %xor3A_526 = arith.constant 4 : i32
        %xor3A_527 = vector.broadcast %xor3A_526 : i32 to vector<16xi32>
        %xor3A_528 = arith.xori %iota3A_312, %xor3A_527 : vector<16xi32>
        %broadcast_in_dim3A_529 = vector.shape_cast %xor3A_528 : vector<16xi32> to vector<16x1xi32>
        %gather3A_530 = vector.shape_cast %broadcast_in_dim3A_529 : vector<16x1xi32> to vector<16xi32>
        %gather3A_531 = tpu.dynamic_gather %min3A_525[%gather3A_530] in [0] : vector<16xi32>, vector<16xi32> -> vector<16xi32>
        %min3A_532 = arith.minsi %min3A_525, %gather3A_531 : vector<16xi32>
        %xor3A_533 = arith.constant 8 : i32
        %xor3A_534 = vector.broadcast %xor3A_533 : i32 to vector<16xi32>
        %xor3A_535 = arith.xori %iota3A_312, %xor3A_534 : vector<16xi32>
        %broadcast_in_dim3A_536 = vector.shape_cast %xor3A_535 : vector<16xi32> to vector<16x1xi32>
        %gather3A_537 = vector.shape_cast %broadcast_in_dim3A_536 : vector<16x1xi32> to vector<16xi32>
        %gather3A_538 = tpu.dynamic_gather %min3A_532[%gather3A_537] in [0] : vector<16xi32>, vector<16xi32> -> vector<16xi32>
        %min3A_539 = arith.minsi %min3A_532, %gather3A_538 : vector<16xi32>
        %gather3A_540 = tpu.vector_load_idx %arg9[%min3A_539] : memref<256xi32, #tpu.memory_space<vmem>>[vector<16xi32>], vector<16xi32>,
        %broadcast_in_dim3A_541 = vector.broadcast %scan3A_477 : i32 to vector<16xi32>
        tpu.vector_store_idx %arg10[%broadcast_in_dim3A_541], %gather3A_540 masked %eq3A_38 : memref<32xi32, #tpu.memory_space<vmem>>[vector<16xi32>], vector<16xi32>, vector<16xi1>
        %and3A_542 = arith.constant 15 : i32
        %and3A_543 = vector.broadcast %and3A_542 : i32 to vector<16xi32>
        %and3A_544 = arith.andi %min3A_539, %and3A_543 : vector<16xi32>
        %shift_right_arithmetic3A = arith.constant 4 : i32
        %shift_right_arithmetic3A_545 = vector.broadcast %shift_right_arithmetic3A : i32 to vector<16xi32>
        %shift_right_arithmetic3A_546 = arith.shrsi %min3A_539, %shift_right_arithmetic3A_545 : vector<16xi32>
        %add3A_547 = arith.constant 0 : i32
        %add3A_548 = vector.broadcast %add3A_547 : i32 to vector<16xi32>
        %add3A_549 = arith.addi %iota3A_312, %add3A_548 : vector<16xi32>
        %mul3A_550 = arith.constant 16 : i32
        %mul3A_551 = vector.broadcast %mul3A_550 : i32 to vector<16xi32>
        %mul3A_552 = arith.muli %add3A_549, %mul3A_551 : vector<16xi32>
        %add3A_553 = arith.addi %mul3A_552, %and3A_544 : vector<16xi32>
        %gather3A_554 = tpu.vector_load_idx %arg8[%add3A_553] : memref<256xf32, #tpu.memory_space<vmem>>[vector<16xi32>], vector<16xf32>,
        %sub3A_555 = arith.constant 0 : i32
        %sub3A_556 = vector.broadcast %sub3A_555 : i32 to vector<16xi32>
        %sub3A_557 = arith.subi %shift_right_arithmetic3A_546, %sub3A_556 : vector<16xi32>
        %eq3A_558 = arith.cmpi eq, %iota3A_312, %sub3A_557 : vector<16xi32>
        %jit3A_559 = arith.constant -3.000000e+38 : f32
        %broadcast_in_dim3A_560 = vector.broadcast %jit3A_559 : f32 to vector<16xf32>
        %select_n3A_561 = arith.select %eq3A_558, %broadcast_in_dim3A_560, %gather3A_554 : vector<16xi1>, vector<16xf32>
        %add3A_562 = arith.constant 0 : i32
        %add3A_563 = vector.broadcast %add3A_562 : i32 to vector<16xi32>
        %add3A_564 = arith.addi %iota3A_312, %add3A_563 : vector<16xi32>
        %broadcast_in_dim3A_565 = arith.constant -3.000000e+38 : f32
        %broadcast_in_dim3A_566 = vector.broadcast %broadcast_in_dim3A_565 : f32 to vector<16xf32>
        tpu.vector_store_idx %arg8[%min3A_539], %broadcast_in_dim3A_566 masked %eq3A_315 : memref<256xf32, #tpu.memory_space<vmem>>[vector<16xi32>], vector<16xf32>, vector<16xi1>
        %xor3A_567 = arith.constant 1 : i32
        %xor3A_568 = vector.broadcast %xor3A_567 : i32 to vector<16xi32>
        %xor3A_569 = arith.xori %iota3A_312, %xor3A_568 : vector<16xi32>
        %broadcast_in_dim3A_570 = vector.shape_cast %xor3A_569 : vector<16xi32> to vector<16x1xi32>
        %gather3A_571 = vector.shape_cast %broadcast_in_dim3A_570 : vector<16x1xi32> to vector<16xi32>
        %gather3A_572 = tpu.dynamic_gather %select_n3A_561[%gather3A_571] in [0] : vector<16xf32>, vector<16xi32> -> vector<16xf32>
        %max3A_573 = arith.maximumf %select_n3A_561, %gather3A_572 : vector<16xf32>
        %xor3A_574 = arith.constant 2 : i32
        %xor3A_575 = vector.broadcast %xor3A_574 : i32 to vector<16xi32>
        %xor3A_576 = arith.xori %iota3A_312, %xor3A_575 : vector<16xi32>
        %broadcast_in_dim3A_577 = vector.shape_cast %xor3A_576 : vector<16xi32> to vector<16x1xi32>
        %gather3A_578 = vector.shape_cast %broadcast_in_dim3A_577 : vector<16x1xi32> to vector<16xi32>
        %gather3A_579 = tpu.dynamic_gather %max3A_573[%gather3A_578] in [0] : vector<16xf32>, vector<16xi32> -> vector<16xf32>
        %max3A_580 = arith.maximumf %max3A_573, %gather3A_579 : vector<16xf32>
        %xor3A_581 = arith.constant 4 : i32
        %xor3A_582 = vector.broadcast %xor3A_581 : i32 to vector<16xi32>
        %xor3A_583 = arith.xori %iota3A_312, %xor3A_582 : vector<16xi32>
        %broadcast_in_dim3A_584 = vector.shape_cast %xor3A_583 : vector<16xi32> to vector<16x1xi32>
        %gather3A_585 = vector.shape_cast %broadcast_in_dim3A_584 : vector<16x1xi32> to vector<16xi32>
        %gather3A_586 = tpu.dynamic_gather %max3A_580[%gather3A_585] in [0] : vector<16xf32>, vector<16xi32> -> vector<16xf32>
        %max3A_587 = arith.maximumf %max3A_580, %gather3A_586 : vector<16xf32>
        %xor3A_588 = arith.constant 8 : i32
        %xor3A_589 = vector.broadcast %xor3A_588 : i32 to vector<16xi32>
        %xor3A_590 = arith.xori %iota3A_312, %xor3A_589 : vector<16xi32>
        %broadcast_in_dim3A_591 = vector.shape_cast %xor3A_590 : vector<16xi32> to vector<16x1xi32>
        %gather3A_592 = vector.shape_cast %broadcast_in_dim3A_591 : vector<16x1xi32> to vector<16xi32>
        %gather3A_593 = tpu.dynamic_gather %max3A_587[%gather3A_592] in [0] : vector<16xf32>, vector<16xi32> -> vector<16xf32>
        %max3A_594 = arith.maximumf %max3A_587, %gather3A_593 : vector<16xf32>
        %eq3A_595 = arith.cmpf oeq, %select_n3A_561, %max3A_594 : vector<16xf32>
        %jit3A_596 = arith.constant 16 : i32
        %broadcast_in_dim3A_597 = vector.broadcast %jit3A_596 : i32 to vector<16xi32>
        %select_n3A_598 = arith.select %eq3A_595, %add3A_564, %broadcast_in_dim3A_597 : vector<16xi1>, vector<16xi32>
        %xor3A_599 = arith.constant 1 : i32
        %xor3A_600 = vector.broadcast %xor3A_599 : i32 to vector<16xi32>
        %xor3A_601 = arith.xori %iota3A_312, %xor3A_600 : vector<16xi32>
        %broadcast_in_dim3A_602 = vector.shape_cast %xor3A_601 : vector<16xi32> to vector<16x1xi32>
        %gather3A_603 = vector.shape_cast %broadcast_in_dim3A_602 : vector<16x1xi32> to vector<16xi32>
        %gather3A_604 = tpu.dynamic_gather %select_n3A_598[%gather3A_603] in [0] : vector<16xi32>, vector<16xi32> -> vector<16xi32>
        %min3A_605 = arith.minsi %select_n3A_598, %gather3A_604 : vector<16xi32>
        %xor3A_606 = arith.constant 2 : i32
        %xor3A_607 = vector.broadcast %xor3A_606 : i32 to vector<16xi32>
        %xor3A_608 = arith.xori %iota3A_312, %xor3A_607 : vector<16xi32>
        %broadcast_in_dim3A_609 = vector.shape_cast %xor3A_608 : vector<16xi32> to vector<16x1xi32>
        %gather3A_610 = vector.shape_cast %broadcast_in_dim3A_609 : vector<16x1xi32> to vector<16xi32>
        %gather3A_611 = tpu.dynamic_gather %min3A_605[%gather3A_610] in [0] : vector<16xi32>, vector<16xi32> -> vector<16xi32>
        %min3A_612 = arith.minsi %min3A_605, %gather3A_611 : vector<16xi32>
        %xor3A_613 = arith.constant 4 : i32
        %xor3A_614 = vector.broadcast %xor3A_613 : i32 to vector<16xi32>
        %xor3A_615 = arith.xori %iota3A_312, %xor3A_614 : vector<16xi32>
        %broadcast_in_dim3A_616 = vector.shape_cast %xor3A_615 : vector<16xi32> to vector<16x1xi32>
        %gather3A_617 = vector.shape_cast %broadcast_in_dim3A_616 : vector<16x1xi32> to vector<16xi32>
        %gather3A_618 = tpu.dynamic_gather %min3A_612[%gather3A_617] in [0] : vector<16xi32>, vector<16xi32> -> vector<16xi32>
        %min3A_619 = arith.minsi %min3A_612, %gather3A_618 : vector<16xi32>
        %xor3A_620 = arith.constant 8 : i32
        %xor3A_621 = vector.broadcast %xor3A_620 : i32 to vector<16xi32>
        %xor3A_622 = arith.xori %iota3A_312, %xor3A_621 : vector<16xi32>
        %broadcast_in_dim3A_623 = vector.shape_cast %xor3A_622 : vector<16xi32> to vector<16x1xi32>
        %gather3A_624 = vector.shape_cast %broadcast_in_dim3A_623 : vector<16x1xi32> to vector<16xi32>
        %gather3A_625 = tpu.dynamic_gather %min3A_619[%gather3A_624] in [0] : vector<16xi32>, vector<16xi32> -> vector<16xi32>
        %min3A_626 = arith.minsi %min3A_619, %gather3A_625 : vector<16xi32>
        %eq3A_627 = arith.cmpi eq, %iota3A_312, %and3A_544 : vector<16xi32>
        %select_n3A_628 = arith.select %eq3A_627, %max3A_594, %scan3A_478 : vector<16xi1>, vector<16xf32>
        %select_n3A_629 = arith.select %eq3A_627, %min3A_626, %scan3A_479 : vector<16xi1>, vector<16xi32>
        scf.yield %select_n3A_628, %select_n3A_629 : vector<16xf32>, vector<16xi32>
      }
      %scan3A_470 = arith.constant 32 : i32
      %dma_start3A = arith.constant 0 : i32
      %dma_start3A_471 = arith.constant 0 : i32
      %dma_start3A_472 = tpu.memref_slice %arg3[%dma_start3A, %dma_start3A_471] : memref<16384x1024xf32, #tpu.memory_space<hbm>> -> memref<16384x1024xf32, #tpu.memory_space<hbm>>
      tpu.enqueue_indirect_dma source(%dma_start3A_472 : memref<16384x1024xf32, #tpu.memory_space<hbm>>) target(%arg11 : memref<32x1024xf32, #tpu.memory_space<vmem>>) offsets(%arg10 : memref<32xi32, #tpu.memory_space<vmem>>) semaphore(%arg14 : memref<!tpu.dma_semaphore, #tpu.memory_space<semaphore_mem>>)
      %dma_wait3A = arith.constant 0 : i32
      %dma_wait3A_473 = arith.constant 0 : i32
      %dma_wait3A_474 = tpu.memref_slice %arg3[%dma_wait3A, %dma_wait3A_473] : memref<16384x1024xf32, #tpu.memory_space<hbm>> -> memref<16384x1024xf32, #tpu.memory_space<hbm>>
      tpu.wait_indirect_dma semaphore(%arg14 : memref<!tpu.dma_semaphore, #tpu.memory_space<semaphore_mem>>) src(%dma_wait3A_474 : memref<16384x1024xf32, #tpu.memory_space<hbm>>) dst(%arg11 : memref<32x1024xf32, #tpu.memory_space<vmem>>)
      %mul3A_475 = arith.constant 32 : i32
      %mul3A_476 = arith.muli %add3A, %mul3A_475 : i32
      "tpu.region"() ({
        %run_scoped3A = tpu.sem_alloc : memref<!tpu.dma_semaphore, #tpu.memory_space<semaphore_mem>>
        %dma_start3A_477 = arith.constant 0 : i32
        %dma_start3A_478 = tpu.memref_slice %arg4[%mul3A_476, %dma_start3A_477] : memref<128x1024xf32, #tpu.memory_space<hbm>> -> memref<32x1024xf32, #tpu.memory_space<hbm>>
        %dma_start3A_479 = arith.constant 0 : i32
        %dma_start3A_480 = tpu.memref_slice %arg4[%mul3A_476, %dma_start3A_479] : memref<128x1024xf32, #tpu.memory_space<hbm>> -> memref<32x1024xf32, #tpu.memory_space<hbm>>
        tpu.enqueue_dma source(%arg11 : memref<32x1024xf32, #tpu.memory_space<vmem>>) target(%dma_start3A_480 : memref<32x1024xf32, #tpu.memory_space<hbm>>) target_semaphore(%run_scoped3A : memref<!tpu.dma_semaphore, #tpu.memory_space<semaphore_mem>>)
        %dma_wait3A_481 = arith.constant 0 : i32
        %dma_wait3A_482 = tpu.memref_slice %arg4[%mul3A_476, %dma_wait3A_481] : memref<128x1024xf32, #tpu.memory_space<hbm>> -> memref<32x1024xf32, #tpu.memory_space<hbm>>
        %dma_wait3A_483 = arith.constant 0 : i32
        %dma_wait3A_484 = tpu.memref_slice %arg4[%mul3A_476, %dma_wait3A_483] : memref<128x1024xf32, #tpu.memory_space<hbm>> -> memref<32x1024xf32, #tpu.memory_space<hbm>>
        tpu.wait_dma2 semaphore(%run_scoped3A : memref<!tpu.dma_semaphore, #tpu.memory_space<semaphore_mem>>) src(%arg11 : memref<32x1024xf32, #tpu.memory_space<vmem>>) dst(%dma_wait3A_484 : memref<32x1024xf32, #tpu.memory_space<hbm>>)
        tpu.yield
      }) : () -> ()
    } else {
    }
    return
  }
}

module attributes {stable_mosaic.version = 14 : i64} {
  func.func @_scores_body(%arg0: i32, %arg1: memref<1x200x4096xf32, #tpu.memory_space<vmem>>, %arg2: memref<1x1x4096xf32, #tpu.memory_space<vmem>>) attributes {dimension_semantics = [#tpu.dimension_semantics<arbitrary>], iteration_bounds = array<i64: 4>, scalar_prefetch = 0 : i64, scratch_operands = 0 : i64, tpu.core_type = #tpu.core_type<tc>, window_params = [{transform_indices = @transform_0, window_bounds = array<i64: 1, 200, 4096>}, {transform_indices = @transform_1, window_bounds = array<i64: 1, 1, 4096>}]} {
    %get3A = arith.constant 0 : index
    %get3A_0 = arith.constant 0 : index
    %get3A_1 = arith.constant 0 : index
    %get3A_2 = vector.load %arg1[%get3A, %get3A_0, %get3A_1] : memref<1x200x4096xf32, #tpu.memory_space<vmem>>, vector<1x200x4096xf32>
    %get3A_3 = vector.shape_cast %get3A_2 : vector<1x200x4096xf32> to vector<200x4096xf32>
    %iota3A = tpu.iota {dimensions = array<i32: 0>} : vector<200x1xi32>
    %reduce_sum3A = arith.constant dense<0.000000e+00> : vector<200xf32>
    %reduce_sum3A_4 = vector.multi_reduction <add>, %get3A_3, %reduce_sum3A [1] : vector<200x4096xf32> to vector<200xf32>
    %broadcast_in_dim3A = vector.shape_cast %reduce_sum3A_4 : vector<200xf32> to vector<200x1xf32>
    %reduce_max3A = vector.shape_cast %broadcast_in_dim3A : vector<200x1xf32> to vector<1x200x1xf32>
    %reduce_max3A_5 = arith.constant dense<0xFF800000> : vector<1xf32>
    %reduce_max3A_6 = vector.multi_reduction <maximumf>, %reduce_max3A, %reduce_max3A_5 [1, 2] : vector<1x200x1xf32> to vector<1xf32>
    %reduce_max3A_7 = vector.shape_cast %reduce_max3A_6 : vector<1xf32> to vector<1x1x1xf32>
    %reduce_max3A_8 = vector.extract %reduce_max3A_7[0, 0, 0] : f32 from vector<1x1x1xf32>
    %eq3A = vector.broadcast %reduce_max3A_8 : f32 to vector<200x1xf32>
    %eq3A_9 = arith.cmpf oeq, %broadcast_in_dim3A, %eq3A : vector<200x1xf32>
    %jit3A = arith.constant 200 : i32
    %broadcast_in_dim3A_10 = vector.broadcast %jit3A : i32 to vector<200x1xi32>
    %select_n3A = arith.select %eq3A_9, %iota3A, %broadcast_in_dim3A_10 : vector<200x1xi1>, vector<200x1xi32>
    %reduce_min3A = vector.shape_cast %select_n3A : vector<200x1xi32> to vector<1x200x1xi32>
    %reduce_min3A_11 = arith.constant dense<2147483647> : vector<1xi32>
    %reduce_min3A_12 = vector.multi_reduction <minsi>, %reduce_min3A, %reduce_min3A_11 [1, 2] : vector<1x200x1xi32> to vector<1xi32>
    %reduce_min3A_13 = vector.shape_cast %reduce_min3A_12 : vector<1xi32> to vector<1x1x1xi32>
    %reduce_min3A_14 = vector.extract %reduce_min3A_13[0, 0, 0] : i32 from vector<1x1x1xi32>
    %reduce_max3A_15 = arith.constant dense<0xFF800000> : vector<4096xf32>
    %reduce_max3A_16 = vector.multi_reduction <maximumf>, %get3A_3, %reduce_max3A_15 [0] : vector<200x4096xf32> to vector<4096xf32>
    %broadcast_in_dim3A_17 = vector.shape_cast %reduce_max3A_16 : vector<4096xf32> to vector<1x4096xf32>
    %sub3A = vector.broadcast %broadcast_in_dim3A_17 : vector<1x4096xf32> to vector<200x4096xf32>
    %sub3A_18 = arith.subf %get3A_3, %sub3A : vector<200x4096xf32>
    %exp3A = math.exp %sub3A_18 : vector<200x4096xf32>
    %reduce_sum3A_19 = arith.constant dense<0.000000e+00> : vector<4096xf32>
    %reduce_sum3A_20 = vector.multi_reduction <add>, %exp3A, %reduce_sum3A_19 [0] : vector<200x4096xf32> to vector<4096xf32>
    %broadcast_in_dim3A_21 = vector.shape_cast %reduce_sum3A_20 : vector<4096xf32> to vector<1x4096xf32>
    %get3A_22 = arith.constant 0 : index
    %get3A_23 = arith.index_cast %reduce_min3A_14 : i32 to index
    %get3A_24 = arith.constant 0 : index
    %get3A_25 = vector.load %arg1[%get3A_22, %get3A_23, %get3A_24] : memref<1x200x4096xf32, #tpu.memory_space<vmem>>, vector<1x1x4096xf32>
    %get3A_26 = vector.shape_cast %get3A_25 : vector<1x1x4096xf32> to vector<1x4096xf32>
    %sub3A_27 = arith.subf %get3A_26, %broadcast_in_dim3A_17 : vector<1x4096xf32>
    %exp3A_28 = math.exp %sub3A_27 : vector<1x4096xf32>
    %div3A = arith.divf %exp3A_28, %broadcast_in_dim3A_21 : vector<1x4096xf32>
    %squeeze3A = vector.shape_cast %div3A : vector<1x4096xf32> to vector<4096xf32>
    %swap3A = arith.constant 0 : index
    %swap3A_29 = arith.constant 0 : index
    %swap3A_30 = arith.constant 0 : index
    %swap3A_31 = vector.load %arg2[%swap3A, %swap3A_29, %swap3A_30] : memref<1x1x4096xf32, #tpu.memory_space<vmem>>, vector<1x1x4096xf32>
    %swap3A_32 = vector.shape_cast %swap3A_31 : vector<1x1x4096xf32> to vector<4096xf32>
    %swap3A_33 = vector.shape_cast %squeeze3A : vector<4096xf32> to vector<1x1x4096xf32>
    tpu.vector_store %arg2[%swap3A, %swap3A_29, %swap3A_30], %swap3A_33 {strides = array<i32>} : memref<1x1x4096xf32, #tpu.memory_space<vmem>>, vector<1x1x4096xf32>,
    return
  }
  func.func @transform_0(%arg0: i32) -> (i32, i32, i32) {
    %c0_i32 = arith.constant 0 : i32
    %c0_i32_0 = arith.constant 0 : i32
    %c0_i32_1 = arith.constant 0 : i32
    return %arg0, %c0_i32, %c0_i32_0 : i32, i32, i32
  }
  func.func @transform_1(%arg0: i32) -> (i32, i32, i32) {
    %c0_i32 = arith.constant 0 : i32
    %c0_i32_0 = arith.constant 0 : i32
    %c0_i32_1 = arith.constant 0 : i32
    return %arg0, %c0_i32, %c0_i32_0 : i32, i32, i32
  }
}

</mosaic_0001>

<sc_bundles>
// kernel: kernel.4.cloned.1.call-start
scs
__scs_entry_jumppad:
0x0: {  	(pc) =	sbr.rel $0x88, $3  }
0x1: {  	(tag) =	ssettag $0x0;
	lr =	simm.s32 $0x1  }
0x2: {  	[smem:$0x3F9F] =	sst lr;
	_ =	strace $0xD0000000  }
0x3: {  	_ = 	snop  }
0x4: {  	_ = 	snop  }
0x5: {  	_ = 	snop  }
0x6: {  	_ = 	snop  }
0x7: {  	_ = 	snop  }
__scs_overlays_trampoline_lowered:
0x8: {  	[smem:$0x3FAE] =	sst s0  }
0x9: {  	[smem:$0x3FAF] =	sst s1  }
0xa: {  	[smem:$0x3FB0] =	sst s2  }
0xb: {  	[smem:$0x3FB1] =	sst s3  }
0xc: {  	[smem:$0x3FB2] =	sst s4  }
0xd: {  	[smem:$0x3FB3] =	sst s5  }
0xe: {  	[smem:$0x3FB4] =	sst s6  }
0xf: {  	[smem:$0x3FB5] =	sst s7  }
0x10: {  	[smem:$0x3FB6] =	sst s8  }
0x11: {  	[smem:$0x3FB7] =	sst s9;
	s0 =	simm.s32 @!p0 $0x0  }
0x12: {  	s1 =	sld [smem:$0x3F9D];
	s0 =	simm.s32 @p0 $0x1  }
0x13: {  	[smem:$0x3FB8] =	sst s0;
	s0 =	simm.s32 @!p1 $0x0  }
0x14: {  	s2 =	sld [smem:$0x3F9C];
	s0 =	simm.s32 @p1 $0x1  }
0x15: {  	[smem:$0x3FB9] =	sst s0;
	s0 =	simm.s32 @!p2 $0x0  }
0x16: {  	s3 =	sld [smem:$0x3FDB];
	s0 =	simm.s32 @p2 $0x1  }
0x17: {  	s4 =	simm.s32 $0x1BF5;
	[smem:$0x3FBB] =	sst s0  }
0x18: {  	s0 =	sld [smem:$0x3F9E];
	_ =	swait.ge [sflag:s4], $0x0  }
0x19: {  	s7 =	sld [smem:$0x3F9F]  }
0x1a: {  	s8 =	sadd.s32 $0xFFFFE003, lr  }
0x1b: {  	s9 =	sadd.s32 $0xFFFFFEF7, lr;
	s5 =	simm.s32 $0xFFFFFFFF;
	p2 =	slt.u32 s8, $0xFFFFF086  }
0x1c: {  	p1 =	slt.u32 s9, $0xF7A;
	s5 =	simm.s32 @!p2 $0x0  }
0x1d: {  	s5 =	simm.s32 @p1 $0x1;
	p0 =	seq.s32 s7, s2  }
0x1e: {  	s7 =	smul.u32 @!p0 $0xF7A, s2;
	p2 =	seq.s32 @!p0 s5, $0x0  }
0x1f: {  	s9 =	smul.u32 $0xF7A, s1;
	s8 =	simm.s32 @!p0 $0x1BF5;
	p2 =	por !p2, p0  }
0x20: {  	[sflag:s8] =	ssyncset.s32 @!p0 $0xFFFFF086;
	s6 =	sadd.s32 @!p0 s3, s7;
	s7 =	simm.s32 @!p0 $0x108  }
0x21: {  	s3 =	sadd.s32 s3, s9;
	s6 =	sadd.s32 @!p0 $0x88, s6;
	s7 =	simm.s32 @p2 $0x1082  }
0x22: {  	[simem:s7], [sflag:s8] =	dma.local @!p0 [hbm:s6], $0xF7A  }
0x23: {  	s9 =	sor.u32 $0xD0000000, s2;
	s6 =	simm.s32 $0x108;
	_ =	swait.ge @!p0 [sflag:s8], $0x0  }
0x24: {  	s3 =	sadd.s32 $0x88, s3;
	s6 =	simm.s32 @!p1 $0x1082;
	[sflag:s4] =	ssyncset.s32 $0xFFFFF086  }
0x25: {  	[simem:s6], [sflag:s4] =	dma.local [hbm:s3], $0xF7A  }
0x26: {  	[smem:$0x3F9F] =	sst s1;
	(tag) =	ssettag s2;
	_ =	strace s9  }
0x27: {  	s1 =	sld [smem:$0x3FAF]  }
0x28: {  	s2 =	sld [smem:$0x3FB0]  }
0x29: {  	s4 =	sld [smem:$0x3FB2]  }
0x2a: {  	p0 =	seq.s32 s5, $0x0;
	s5 =	sld [smem:$0x3FB3]  }
0x2b: {  	s6 =	sld [smem:$0x3FB4]  }
0x2c: {  	s7 =	sld [smem:$0x3FB5]  }
0x2d: {  	s3 =	simm.s32 $0x108;
	s8 =	sld [smem:$0x3FB6]  }
0x2e: {  	s3 =	simm.s32 @!p0 $0x1082;
	s9 =	sld [smem:$0x3FB7]  }
0x2f: {  	lr =	sadd.s32 s0, s3;
	s0 =	sld [smem:$0x3FAE]  }
0x30: {  	s3 =	sld [smem:$0x3FB1]  }
0x31: {  	[smem:$0x3FBA] =	sst s10  }
0x32: {  	s10 =	sld [smem:$0x3FB8];
	_ =	sdelay $0x3  }
0x33: {  	p0 =	seq.s32 s10, $0x1;
	s10 =	sld [smem:$0x3FBA];
	_ =	sdelay $0x3  }
0x34: {  	[smem:$0x3FBA] =	sst s10  }
0x35: {  	s10 =	sld [smem:$0x3FB9];
	_ =	sdelay $0x3  }
0x36: {  	p1 =	seq.s32 s10, $0x1;
	s10 =	sld [smem:$0x3FBA];
	_ =	sdelay $0x3  }
0x37: {  	[smem:$0x3FBA] =	sst s10  }
0x38: {  	s10 =	sld [smem:$0x3FBB]  }
0x39: {  	_ = 	snop;
	(pc) =	sbr.ind lr, $3  }
0x3a: {  	_ = 	snop  }
0x3b: {  	_ = 	snop  }
0x3c: {  	p2 =	seq.s32 s10, $0x1;
	s10 =	sld [smem:$0x3FBA]  }
0x3d: {  	_ =	shalt  }
0x3e: {  	_ =	shalt  }
0x3f: {  	_ =	shalt  }
0x40: {  	_ =	shalt  }
0x41: {  	_ =	shalt  }
0x42: {  	_ =	shalt  }
0x43: {  	_ =	shalt  }
0x44: {  	_ =	shalt  }
0x45: {  	_ =	shalt  }
0x46: {  	_ =	shalt  }
0x47: {  	_ =	shalt  }
0x48: {  	_ =	shalt  }
0x49: {  	_ =	shalt  }
0x4a: {  	_ =	shalt  }
0x4b: {  	_ =	shalt  }
0x4c: {  	_ =	shalt  }
0x4d: {  	_ =	shalt  }
0x4e: {  	_ =	shalt  }
0x4f: {  	_ =	shalt  }
0x50: {  	_ =	shalt  }
0x51: {  	_ =	shalt  }
0x52: {  	_ =	shalt  }
0x53: {  	_ =	shalt  }
0x54: {  	_ =	shalt  }
0x55: {  	_ =	shalt  }
0x56: {  	_ =	shalt  }
0x57: {  	_ =	shalt  }
0x58: {  	_ =	shalt  }
0x59: {  	_ =	shalt  }
0x5a: {  	_ =	shalt  }
0x5b: {  	_ =	shalt  }
0x5c: {  	_ =	shalt  }
0x5d: {  	_ =	shalt  }
0x5e: {  	_ =	shalt  }
0x5f: {  	_ =	shalt  }
0x60: {  	_ =	shalt  }
0x61: {  	_ =	shalt  }
0x62: {  	_ =	shalt  }
0x63: {  	_ =	shalt  }
0x64: {  	_ =	shalt  }
0x65: {  	_ =	shalt  }
0x66: {  	_ =	shalt  }
0x67: {  	_ =	shalt  }
0x68: {  	_ =	shalt  }
0x69: {  	_ =	shalt  }
0x6a: {  	_ =	shalt  }
0x6b: {  	_ =	shalt  }
0x6c: {  	_ =	shalt  }
0x6d: {  	_ =	shalt  }
0x6e: {  	_ =	shalt  }
0x6f: {  	_ =	shalt  }
0x70: {  	_ =	shalt  }
0x71: {  	_ =	shalt  }
0x72: {  	_ =	shalt  }
0x73: {  	_ =	shalt  }
0x74: {  	_ =	shalt  }
0x75: {  	_ =	shalt  }
0x76: {  	_ =	shalt  }
0x77: {  	_ =	shalt  }
0x78: {  	_ =	shalt  }
0x79: {  	_ =	shalt  }
0x7a: {  	_ =	shalt  }
0x7b: {  	_ =	shalt  }
0x7c: {  	_ =	shalt  }
0x7d: {  	_ =	shalt  }
0x7e: {  	_ =	shalt  }
0x7f: {  	_ =	shalt  }
0x80: {  	_ =	shalt  }
0x81: {  	_ =	shalt  }
0x82: {  	_ =	shalt  }
0x83: {  	_ =	shalt  }
0x84: {  	_ =	shalt  }
0x85: {  	_ =	shalt  }
0x86: {  	_ =	shalt  }
0x87: {  	_ =	shalt  }
.Lfunc_end0:
.L_simem_size_0:
called_computation_lowered:
.L_overlay_start_0:
0x88: {  	s2 =	sld [smem:$0x3FD9]  }
0x89: {  	s3 =	sld [smem:$0x3FFE];
	_ =	sdelay $0x1  }
0x8a: {  	s1 =	srdreg.scid  }
0x8b: {  	s0 =	sand.u32 $0x1, s1  }
0x8c: {  	s17 =	sshll.u32 s0, $0xA;
	s2 =	sadd.s32 s3, s2  }
0x8d: {  	s2 =	sadd.s32 s2, s17  }
0x8e: {  	[smem:$0x3FC6] =	sst s2  }
0x8f: {  	_ = 	snop  }
0x90: {  	s2 =	sld [smem:$0x3FC9]  }
0x91: {  	s18 =	sld [smem:$0x3FD0];
	(tm) =	ssettm $0x1  }
0x92: {  	s4 =	sld [smem:$0x3FFB];
	_ =	sdelay $0x3  }
0x93: {  	_ =	strace s4  }
0x94: {  	s4 =	sld [smem:$0x3FFC];
	_ =	sdelay $0x3  }
0x95: {  	_ =	strace s4  }
0x96: {  	s4 =	sld [smem:$0x3FFD];
	_ =	sdelay $0x3  }
0x97: {  	_ =	strace s4  }
0x98: {  	_ =	strace $0x8FFFFFFF  }
0x99: {  	s19 =	sld [smem:$0x3FDB];
	_ =	sdelay $0x1  }
0x9a: {  	s5 =	simm.s32 $_scs_section_size  }
0x9b: {  	s6 =	simm.s32 $_size__tile_overlayer_lowered;
	s7 =	simm.s32 $_tile_overlayer_lowered  }
0x9c: {  	s22 =	simm.s32 $0x1BFF;
	s21 =	sshll.u32 s7, $0x1;
	s4 =	sadd.s32 s5, s19  }
0x9d: {  	s8 =	simm.s32 $0x0;
	s20 =	sshll.u32 s6, $0x1;
	s6 =	sadd.s32 s21, s4  }
0x9e: {  	[timem:s8], [sflag:s22] =	dma.local [hbm:s6], s20  }
0x9f: {  	_ =	swait.ge [sflag:s22], s20  }
0xa0: {  	s5 =	ssub.s32 $0x0, s20;
	[sflag:s22] =	ssyncset.done $0x0  }
0xa1: {  	[sflag:s22] =	ssyncadd.s32 s5;
	_ =	sdelay $0x1  }
0xa2: {  	s23 =	simm.s32 $0x1B8B  }
0xa3: {  	_ =	swait.ge [sflag:s23], $0x1  }
0xa4: {  	[sflag:s23] =	ssyncset.done $0x0  }
0xa5: {  	s25 =	simm.s32 $0x1B8E;
	s24 =	sld [smem:$0x3FFE];
	[sflag:s23] =	ssyncadd.s32 $0xFFFFFFFF  }
0xa6: {  	s26 =	simm.s32 $execute0_lowered;
	[smem:$0x3FD2] =	sst s25  }
0xa7: {  	s6 =	sshll.u32 s26, $0x1;
	_ =	strace $0x80000046;
	[dreg:$0x1] =	wrdreg $0xFFFFFFFF  }
0xa8: {  	s28 =	simm.s32 $_size_execute0_lowered;
	s4 =	sadd.s32 s4, s6;
	[dreg:$0x0] =	wrdreg $0x0  }
0xa9: {  	s6 =	sshll.u32 s28, $0x1;
	[dreg:$0x2] =	wrdreg s4  }
0xaa: {  	[dreg:$0x3] =	wrdreg s6  }
0xab: {  	[dreg:$0x4] =	wrdreg $0xC0  }
0xac: {  	_ =	task [dreg:s8], $0x5FFFF  }
0xad: {  	[dreg:$0x1] =	wrdreg $0xFFFFFFFF  }
0xae: {  	[dreg:$0x0] =	wrdreg $0x60  }
0xaf: {  	[dreg:$0x2] =	wrdreg s24  }
0xb0: {  	[dreg:$0x3] =	wrdreg s2  }
0xb1: {  	[dreg:$0x4] =	wrdreg s18  }
0xb2: {  	[dreg:$0x5] =	wrdreg $0x85800  }
0xb3: {  	[dreg:$0x6] =	wrdreg $0x85A00  }
0xb4: {  	[dreg:$0x7] =	wrdreg $0x9  }
0xb5: {  	_ =	task.clear_ibuf [dreg:s8], $0x8FFFF;
	_ =	strace $0x90000046  }
0xb6: {  	s29 =	simm.s32 $0x9;
	_ =	strace $0x80000048  }
0xb7: {  	_ =	swait.ge [sflag:s29], $0x1  }
0xb8: {  	[sflag:s29] =	ssyncadd.s32 $0xFFFFFFFF  }
0xb9: {  	_ =	strace $0x90000048  }
0xba: {  	_ =	sfence  }
0xbb: {  	s30 =	sld [smem:$0x0];
	_ =	sdelay $0x2  }
0xbc: {  	s31 =	sshll.u32 s1, $0xD;
	s1 =	sshrl.u32 s1, $0x2  }
0xbd: {  	s3 =	sand.u32 $0x4000, s31;
	s1 =	sadd.s32 s1, s30  }
0xbe: {  	s0 =	sor.u32 s3, s0;
	s1 =	sshll.u32 s1, $0x11  }
0xbf: {  	s0 =	sor.u32 s1, s0  }
0xc0: {  	s0 =	sadd.s32 $0x8F2B, s0  }
0xc1: {  	[sflag:s0] =	ssyncadd.remote.s32 $0x1  }
0xc2: {  	_ =	sfence.sel $0xFFFF  }
0xc3: {  	[dreg:$0x0] =	wrdreg $0xFFFFFFFF;
	(pc) =	sbr.abs _section_cstart, $3  }
0xc4: {  	[dreg:$0x1] =	wrdreg $0xFFFFFFFF  }
0xc5: {  	_ =	task.clear_ibuf [dreg:s8], $0x2FFFF;
	_ =	strace $0x9FFFFFFF  }
0xc6: {  	(tm) =	ssettm $0x7FFFFFFF  }
0xc7: {  	_ =	shalt  }
tec
execute0_lowered:
.L_overlay_start_1:
0x0: {  	(tag) =	ssettag $0x1  }
0x1: {  	s0 =	rddreg [dreg:$0x0]  }
0x2: {  	s1 =	rddreg [dreg:$0x1]  }
0x3: {  	s2 =	rddreg [dreg:$0x2]  }
0x4: {  	s7 =	rddreg [dreg:$0x3]  }
0x5: {  	s8 =	rddreg [dreg:$0x4]  }
0x6: {  	s3 =	srdreg.scid;
	s10 =	stileid.u32  }
0x7: {  	s14 =	simm.s32 $0x2;
	s15 =	simm.s32 $0x200;
	s16 =	simm.s32 $0x280  }
0x8: {  	s18 =	simm.s32 $0x100;
	s19 =	simm.s32 $0x300;
	s20 =	simm.s32 $0x400  }
0x9: {  	s28 =	simm.s32 $0x7D80;
	s29 =	simm.s32 $0x1;
	s30 =	simm.s32 $0x0  }
0xa: {  	s4 =	sand.u32 $0x1, s3;
	s5 =	sshrl.u32 s10, $0x3;
	s17 =	sand.u32 $0x7, s10  }
0xb: {  	v0 =	vimm.s32 $0xEFCDAB89;
	v1 =	vimm.s32 $0x67452301;
	v2 =	vimm.s32 $0xDCFE98BA;
	s3 =	simm.s32 $0x0;
	s22 =	sshll.u32 s10, $0x5;
	s24 =	sshll.u32 s10, $0x6  }
0xc: {  	v3 =	vimm.s32 $0x54761032;
	s10 =	sadd.s32 $0x200, s1;
	s6 =	sshll.u32 s4, $0xD;
	s9 =	sshll.u32 s5, $0xC  }
0xd: {  	v4 =	vimm.s32 $0xBA98FEDC;
	v5 =	vimm.s32 $0x32107654;
	s21 =	sshll.u32 s17, $0x9;
	[smem:$0x7FF] =	sst s3;
	s4 =	ssub.s32 $0x2, s4  }
0xe: {  	v6 =	vimm.s32 $0xFEDCBA98;
	v7 =	vimm.s32 $0x76543210;
	v0 =	vunpack.c.l.s4.s8 v0;
	s11 =	sshll.u32 s5, $0x7;
	p0 =	sne.s32 s17, $0x0;
	s17 =	simm.s32 $0x80  }
0xf: {  	v1 =	vunpack.c.l.s4.s8 v1;
	v4 =	vunpack.c.l.s4.s8 v4;
	v5 =	vunpack.c.l.s4.s8 v5;
	s12 =	sor.u32 s6, s9;
	_ =	strace $0x80000047;
	s9 =	sand.u32 $0x100, s24  }
0x10: {  	v2 =	vunpack.c.l.s4.s8 v2;
	v3 =	vunpack.c.l.s4.s8 v3;
	v6 =	vunpack.c.l.s4.s8 v6;
	s25 =	sshrl.u32 s4, $0x1;
	s24 =	simm.s32 $0x6580;
	s23 =	sor.u32 s21, s12  }
0x11: {  	v7 =	vunpack.c.l.s4.s8 v7;
	v4 =	vunpack.c.0.s8.s32 v4;
	v5 =	vunpack.c.0.s8.s32 v5;
	s13 =	ssub.s32 s4, s25;
	s12 =	sadd.s32 s2, s12;
	s21 =	simm.s32 $0x500  }
0x12: {  	v0 =	vunpack.c.0.s8.s32 v0;
	v1 =	vunpack.c.0.s8.s32 v1;
	v2 =	vunpack.c.0.s8.s32 v2;
	s25 =	simm.s32 $0x6D80;
	s6 =	sshrl.u32 s23, $0x3;
	s13 =	smax.u32 s13, $0x1  }
.Ltmp0:
0x13: {  	v3 =	vunpack.c.0.s8.s32 v3;
	v4 =	vcombine.low v5, v4;
	v5 =	vunpack.c.0.s8.s32 v6;
	s0 =	sadd.s32 s6, s0;
	s6 =	sand.u32 $0x60, s22;
	(pc) =	sbr.rel .LBB2_1-.Ltmp0, $4  }
0x14: {  	v8 =	vcombine.low v1, v0;
	v0 =	vmov s23;
	v6 =	vunpack.c.0.s8.s32 v7;
	s23 =	simm.s32 $0x5D80;
	s22 =	simm.s32 $0x580;
	s26 =	sor.u32 s6, s9  }
0x15: {  	v3 =	vcombine.low v3, v2;
	v1 =	vimm.s32 $0x0;
	s4 =	sadd.s32 $0x800, s0;
	s9 =	sadd.s32 $0x100, s1;
	v5 =	vand.u32 $0xF, v5;
	s31 =	sor.u32 s11, s26  }
0x16: {  	v7 =	vimm.f32 $-3.000000010e+38;
	v2 =	vand.u32 $0xF, v8;
	s26 =	simm.s32 $0x7580;
	v5 =	vcombine.low v5, v6;
	s5 =	sadd.s32 s31, s7;
	s6 =	sadd.s32 s31, s8  }
0x17: {  	v3 =	vand.u32 $0xF, v3;
	v4 =	vand.u32 $0xF, v4;
	v6 =	vlaneseq.u32;
	s7 =	sadd.s32 s11, s7;
	s8 =	sadd.s32 s11, s8;
	s11 =	sadd.s32 $0x300, s1  }
.LBB2_6:
0x18: {  	v8 =	vsel vm0, v13, v9  }
0x19: {  	v54 =	vmax.f32 v11, v12;
	v8 =	vshll.u32 v8, $0x4  }
0x1a: {  	vm14 =	veq.f32 v10, v54;
	v8 =	vor.u32 v6, v8  }
0x1b: {  	v8 =	vnsel vm14, $0x100, v8  }
0x1c: {  	v55 =	vperm.xlane v8, v2;
	_ =	sdelay $0x1  }
0x1d: {  	vm0 =	vlt.s32 v8, v55  }
0x1e: {  	v8 =	vsel vm0, v8, v55  }
0x1f: {  	v9 =	vperm.xlane v8, v3;
	_ =	sdelay $0x1  }
0x20: {  	vm0 =	vlt.s32 v8, v9  }
0x21: {  	v8 =	vsel vm0, v8, v9  }
0x22: {  	v9 =	vperm.xlane v8, v4;
	_ =	sdelay $0x1  }
0x23: {  	vm0 =	vlt.s32 v8, v9  }
0x24: {  	v8 =	vsel vm0, v8, v9  }
0x25: {  	v9 =	vperm.xlane v8, v5;
	_ =	sdelay $0x1  }
0x26: {  	vm0 =	vlt.s32 v8, v9  }
0x27: {  	v8 =	vsel vm0, v8, v9;
	_ =	sdelay $0x4  }
0x28: {  	v56 =	vmov s31;
	v57 =	vld.idx.msk [tilespmem:v8+s20+$0x0], $0xffff;
	_ =	sdelay $0x4  }
0x29: {  	[tilespmem:v56+s21+$0x0] =	vst.idx.msk $0x1, v57  }
0x2a: {  	[tilespmem:v8+s19+$0x0] =	vst.idx.msk $0x1, v7  }
0x2b: {  	v8 =	vld [tilespmem:$0x500];
	_ =	sdelay $0x4  }
0x2c: {  	v58 =	vshll.u32 v8, $0x3  }
0x2d: {  	v8 =	vand.u32 $0x7, v8;
	v9 =	vand.u32 $0xFFFFFFC0, v58  }
0x2e: {  	v59 =	vand.u32 $0x7, v6;
	v60 =	vshrl.u32 v6, $0x3;
	v8 =	vor.u32 v8, v9  }
0x2f: {  	v10 =	vmul.u32 $0x8, v60;
	v61 =	vperm.xlane v8, v59;
	_ =	sdelay $0x1  }
0x30: {  	v11 =	vadd.s32 v10, v61;
	_ =	sdelay $0x3  }
0x31: {  	vm15 =	vmmov $0xffff  }
0x32: {  	v62 =	vor.u32 $0x8, v6;
	[tilespmem:s22], [sflag:$0x1] =	stream.indirect_vreg.gather [hbm4b:s1+s3], $0x80, v11, vm15, $0xb8;
	[tilespmem:$0x85C0] =	vst v63  }
0x33: {  	s0 =	simm.s32 $0xD80;
	v8 =	vperm.xlane v8, v62  }
0x34: {  	[tilespmem:s0], [sflag:$0x1] =	stream.indirect_vreg.gather [hbm4b:s9+s3], $0x80, v11, vm15, $0xb8;
	[tilespmem:$0x85C0] =	vst v63  }
0x35: {  	s31 =	simm.s32 $0x1580;
	v8 =	vadd.s32 v10, v8  }
0x36: {  	[tilespmem:s31], [sflag:$0x1] =	stream.indirect_vreg.gather [hbm4b:s10+s3], $0x80, v11, vm15, $0xb8;
	[tilespmem:$0x85C0] =	vst v63  }
0x37: {  	s2 =	simm.s32 $0x1D80  }
0x38: {  	[tilespmem:s2], [sflag:$0x1] =	stream.indirect_vreg.gather [hbm4b:s11+s3], $0x80, v11, vm15, $0xb8;
	[tilespmem:$0x85C0] =	vst v63  }
0x39: {  	s31 =	simm.s32 $0x2580  }
0x3a: {  	[tilespmem:s31], [sflag:$0x1] =	stream.indirect_vreg.gather [hbm4b:s1+s3], $0x80, v8, vm15, $0xb8;
	[tilespmem:$0x85C0] =	vst v63  }
0x3b: {  	s2 =	simm.s32 $0x2D80  }
0x3c: {  	[tilespmem:s2], [sflag:$0x1] =	stream.indirect_vreg.gather [hbm4b:s9+s3], $0x80, v8, vm15, $0xb8;
	[tilespmem:$0x85C0] =	vst v63  }
0x3d: {  	s31 =	simm.s32 $0x3580  }
0x3e: {  	[tilespmem:s31], [sflag:$0x1] =	stream.indirect_vreg.gather [hbm4b:s10+s3], $0x80, v8, vm15, $0xb8;
	[tilespmem:$0x85C0] =	vst v63  }
0x3f: {  	s2 =	simm.s32 $0x3D80  }
0x40: {  	[tilespmem:s2], [sflag:$0x1] =	stream.indirect_vreg.gather [hbm4b:s11+s3], $0x80, v8, vm15, $0xb8;
	[tilespmem:$0x85C0] =	vst v63  }
0x41: {  	v8 =	vld [tilespmem:$0x510];
	_ =	sdelay $0x4  }
0x42: {  	v63 =	vshll.u32 v8, $0x3  }
0x43: {  	v8 =	vand.u32 $0x7, v8;
	v11 =	vand.u32 $0xFFFFFFC0, v63  }
0x44: {  	v8 =	vor.u32 v8, v11  }
0x45: {  	v9 =	vperm.xlane v8, v59;
	_ =	sdelay $0x1  }
0x46: {  	v9 =	vadd.s32 v10, v9;
	_ =	sdelay $0x3  }
0x47: {  	s31 =	simm.s32 $0x4580  }
0x48: {  	[tilespmem:s31], [sflag:$0x1] =	stream.indirect_vreg.gather [hbm4b:s1+s3], $0x80, v9, vm15, $0xb8;
	[tilespmem:$0x85C0] =	vst v63  }
0x49: {  	s2 =	simm.s32 $0x4D80;
	v8 =	vperm.xlane v8, v62  }
0x4a: {  	[tilespmem:s2], [sflag:$0x1] =	stream.indirect_vreg.gather [hbm4b:s9+s3], $0x80, v9, vm15, $0xb8;
	[tilespmem:$0x85C0] =	vst v63  }
0x4b: {  	v8 =	vadd.s32 v10, v8;
	s31 =	simm.s32 $0x5580  }
0x4c: {  	[tilespmem:s31], [sflag:$0x1] =	stream.indirect_vreg.gather [hbm4b:s10+s3], $0x80, v9, vm15, $0xb8;
	[tilespmem:$0x85C0] =	vst v63  }
0x4d: {  	_ = 	snop  }
0x4e: {  	[tilespmem:s23], [sflag:$0x1] =	stream.indirect_vreg.gather [hbm4b:s11+s3], $0x80, v9, vm15, $0xb8;
	[tilespmem:$0x85C0] =	vst v63  }
0x4f: {  	_ = 	snop  }
0x50: {  	[tilespmem:s24], [sflag:$0x1] =	stream.indirect_vreg.gather [hbm4b:s1+s3], $0x80, v8, vm15, $0xb8;
	[tilespmem:$0x85C0] =	vst v63  }
0x51: {  	_ = 	snop  }
0x52: {  	[tilespmem:s25], [sflag:$0x1] =	stream.indirect_vreg.gather [hbm4b:s9+s3], $0x80, v8, vm15, $0xb8;
	[tilespmem:$0x85C0] =	vst v63  }
0x53: {  	_ = 	snop  }
0x54: {  	[tilespmem:s26], [sflag:$0x1] =	stream.indirect_vreg.gather [hbm4b:s10+s3], $0x80, v8, vm15, $0xb8;
	[tilespmem:$0x85C0] =	vst v63  }
0x55: {  	_ = 	snop  }
0x56: {  	[tilespmem:s28], [sflag:$0x1] =	stream.indirect_vreg.gather [hbm4b:s11+s3], $0x80, v8, vm15, $0xb8;
	[tilespmem:$0x85C0] =	vst v63  }
0x57: {  	_ =	swait.ge [sflag:s29], $0x8000  }
0x58: {  	[sflag:s29] =	ssyncset.done $0x0  }
0x59: {  	[sflag:s29] =	ssyncadd.s32 $0xFFFF8000  }
0x5a: {  	[hbm4b:s12+s3] =	stream.linear.scatter [tilespmem:s22], [sflag:$0x2], $0x8000, $0x38;
	[tilespmem:$0x85C0] =	vst v63  }
0x5b: {  	_ =	swait.ge [sflag:s14], $0x8000  }
0x5c: {  	[sflag:s14] =	ssyncset.done $0x0  }
0x5d: {  	[sflag:s14] =	ssyncadd.s32 $0xFFFF8000  }
.LBB2_7:
0x5e: {  	s30 =	sadd.s32 $0x1, s30  }
0x5f: {  	p1 =	sne.s32 s30, s13  }
.Ltmp1:
0x60: {  	_ = 	snop;
	(pc) =	sbr.rel @!p1 .LBB2_8-.Ltmp1, $1  }
0x61: {  	_ =	sdelay $0x3  }
.LBB2_1:
0x62: {  	[tilespmem:s3], [sflag:$0x2] =	stream.linear.gather [hbm4b:s4+s3], $0x200, $0x38;
	[tilespmem:$0x85C0] =	vst v63  }
0x63: {  	_ =	swait.ge [sflag:s14], $0x200  }
0x64: {  	[sflag:s14] =	ssyncset.done $0x0  }
0x65: {  	[sflag:s14] =	ssyncadd.s32 $0xFFFFFE00  }
0x66: {  	v8 =	vld [tilespmem:$0x0]  }
0x67: {  	v9 =	vld [tilespmem:$0x10]  }
0x68: {  	v10 =	vld [tilespmem:$0x20]  }
0x69: {  	v11 =	vld [tilespmem:$0x30]  }
0x6a: {  	v12 =	vld [tilespmem:$0x40]  }
0x6b: {  	v13 =	vld [tilespmem:$0x50]  }
0x6c: {  	v14 =	vld [tilespmem:$0x60]  }
0x6d: {  	v15 =	vld [tilespmem:$0x70];
	vm0 =	vgt.f32 v8, $-3.000000010e+38;
	vm1 =	vgt.f32 v9, $-3.000000010e+38  }
0x6e: {  	v16 =	vld [tilespmem:$0x80];
	v8 =	vnsel vm0, $0xFF61B1E6, v8;
	v9 =	vnsel vm1, $0xFF61B1E6, v9;
	vm0 =	vgt.f32 v10, $-3.000000010e+38  }
0x6f: {  	v18 =	vld [tilespmem:$0x90];
	v17 =	vsel vm1, $0x1, v1;
	vm1 =	vgt.f32 v11, $-3.000000010e+38;
	v10 =	vnsel vm0, $0xFF61B1E6, v10  }
0x70: {  	v20 =	vld [tilespmem:$0xA0];
	v19 =	vsel vm0, $0x2, v1;
	v11 =	vnsel vm1, $0xFF61B1E6, v11;
	vm0 =	vgt.f32 v12, v8  }
0x71: {  	v56 =	vld [tilespmem:$0x100];
	v21 =	vsel vm1, $0x3, v1;
	vm1 =	vgt.f32 v13, v9;
	v8 =	vsel vm0, v12, v8  }
0x72: {  	v12 =	vld [tilespmem:$0xB0];
	v22 =	vsel vm0, $0x4, v1;
	v9 =	vsel vm1, v13, v9;
	vm0 =	vgt.f32 v14, v10  }
0x73: {  	v13 =	vld [tilespmem:$0xC0];
	v17 =	vsel vm1, $0x5, v17;
	vm1 =	vgt.f32 v15, v11;
	v10 =	vsel vm0, v14, v10  }
0x74: {  	v14 =	vld [tilespmem:$0xD0];
	v19 =	vsel vm0, $0x6, v19;
	v11 =	vsel vm1, v15, v11;
	vm0 =	vgt.f32 v16, v8  }
0x75: {  	v15 =	vld [tilespmem:$0xE0];
	v21 =	vsel vm1, $0x7, v21;
	vm1 =	vgt.f32 v18, v9;
	v8 =	vsel vm0, v16, v8  }
0x76: {  	v16 =	vld [tilespmem:$0xF0];
	v22 =	vsel vm0, $0x8, v22;
	v9 =	vsel vm1, v18, v9;
	vm0 =	vgt.f32 v20, v10  }
0x77: {  	v57 =	vld [tilespmem:$0x110];
	v17 =	vsel vm1, $0x9, v17;
	v10 =	vsel vm0, v20, v10;
	vm1 =	vgt.f32 v12, v11  }
0x78: {  	v19 =	vsel vm0, $0xA, v19;
	vm0 =	vgt.f32 v13, v8;
	v11 =	vsel vm1, v12, v11;
	v12 =	vld [tilespmem:$0x120]  }
0x79: {  	v21 =	vsel vm1, $0xB, v21;
	v8 =	vsel vm0, v13, v8;
	vm1 =	vgt.f32 v14, v9;
	v13 =	vld [tilespmem:$0x130]  }
0x7a: {  	v22 =	vsel vm0, $0xC, v22;
	vm0 =	vgt.f32 v15, v10;
	v9 =	vsel vm1, v14, v9;
	v14 =	vld [tilespmem:$0x140]  }
0x7b: {  	v17 =	vsel vm1, $0xD, v17;
	v10 =	vsel vm0, v15, v10;
	vm1 =	vgt.f32 v16, v11;
	v15 =	vld [tilespmem:$0x150]  }
0x7c: {  	v19 =	vsel vm0, $0xE, v19;
	vm0 =	vgt.f32 v56, v8;
	v11 =	vsel vm1, v16, v11;
	v16 =	vld [tilespmem:$0x160]  }
0x7d: {  	v58 =	vld [tilespmem:$0x170];
	v21 =	vsel vm1, $0xF, v21;
	v8 =	vsel vm0, v56, v8;
	vm1 =	vgt.f32 v57, v9  }
0x7e: {  	v59 =	vld [tilespmem:$0x180];
	v22 =	vsel vm0, $0x10, v22;
	v9 =	vsel vm1, v57, v9;
	vm0 =	vgt.f32 v12, v10  }
0x7f: {  	v17 =	vsel vm1, $0x11, v17;
	vm1 =	vgt.f32 v13, v11;
	v10 =	vsel vm0, v12, v10;
	v12 =	vld [tilespmem:$0x190]  }
0x80: {  	v19 =	vsel vm0, $0x12, v19;
	v11 =	vsel vm1, v13, v11;
	vm0 =	vgt.f32 v14, v8;
	v13 =	vld [tilespmem:$0x1A0]  }
0x81: {  	vm2 =	vgt.f32 v15, v9;
	v8 =	vsel vm0, v14, v8;
	vm3 =	vgt.f32 v16, v10;
	v14 =	vld [tilespmem:$0x1B0]  }
0x82: {  	v9 =	vsel vm2, v15, v9;
	v15 =	vsel vm1, $0x13, v21;
	v10 =	vsel vm3, v16, v10;
	v16 =	vld [tilespmem:$0x1C0]  }
0x83: {  	v60 =	vsel vm0, $0x14, v22;
	v17 =	vsel vm2, $0x15, v17;
	vm0 =	vgt.f32 v58, v11  }
0x84: {  	v61 =	vld [tilespmem:$0x1D0];
	v19 =	vsel vm3, $0x16, v19;
	v11 =	vsel vm0, v58, v11;
	vm1 =	vgt.f32 v59, v8  }
0x85: {  	v62 =	vld [tilespmem:$0x1E0];
	v8 =	vsel vm1, v59, v8;
	vm2 =	vgt.f32 v12, v9;
	vm3 =	vgt.f32 v13, v10  }
0x86: {  	v9 =	vsel vm2, v12, v9;
	v12 =	vsel vm0, $0x17, v15;
	v10 =	vsel vm3, v13, v10  }
0x87: {  	v13 =	vld [tilespmem:$0x1F0];
	v15 =	vsel vm1, $0x18, v60;
	vm0 =	vgt.f32 v14, v11;
	vm1 =	vgt.f32 v16, v8  }
0x88: {  	v11 =	vsel vm0, v14, v11;
	v14 =	vsel vm2, $0x19, v17;
	v12 =	vsel vm0, $0x1B, v12  }
0x89: {  	vm0 =	vgt.f32 v61, v9;
	v8 =	vsel vm1, v16, v8;
	v16 =	vsel vm3, $0x1A, v19  }
0x8a: {  	v15 =	vsel vm1, $0x1C, v15;
	v9 =	vsel vm0, v61, v9;
	vm1 =	vgt.f32 v62, v10  }
0x8b: {  	v14 =	vsel vm0, $0x1D, v14;
	v10 =	vsel vm1, v62, v10;
	v16 =	vsel vm1, $0x1E, v16  }
0x8c: {  	vm1 =	veq.f32 v9, v8;
	vm2 =	vlt.u32 v14, v15;
	vm0 =	vgt.f32 v13, v11  }
0x8d: {  	vm1 =	vmand vm1, vm2;
	v11 =	vsel vm0, v13, v11;
	v12 =	vsel vm0, $0x1F, v12  }
0x8e: {  	vm0 =	vgt.f32 v9, v8;
	vm2 =	veq.f32 v11, v10;
	vm3 =	vlt.u32 v12, v16  }
0x8f: {  	vm0 =	vmor vm0, vm1;
	vm1 =	vmand vm2, vm3;
	vm2 =	vgt.f32 v11, v10  }
0x90: {  	v8 =	vsel vm0, v9, v8;
	vm1 =	vmor vm2, vm1  }
0x91: {  	v9 =	vsel vm0, v14, v15;
	v10 =	vsel vm1, v11, v10;
	v11 =	vsel vm1, v12, v16  }
0x92: {  	vm0 =	veq.f32 v10, v8;
	vm1 =	vlt.u32 v11, v9  }
0x93: {  	vm2 =	vgt.f32 v10, v8;
	vm0 =	vmand vm0, vm1  }
0x94: {  	vm0 =	vmor vm2, vm0  }
0x95: {  	v12 =	vsel vm0, v10, v8  }
0x96: {  	v8 =	vperm.xlane v12, v2;
	_ =	sdelay $0x1  }
0x97: {  	v8 =	vmax.f32 v12, v8  }
0x98: {  	v10 =	vperm.xlane v8, v3;
	_ =	sdelay $0x1  }
0x99: {  	v8 =	vmax.f32 v8, v10  }
0x9a: {  	v10 =	vperm.xlane v8, v4;
	_ =	sdelay $0x1  }
0x9b: {  	v8 =	vmax.f32 v8, v10  }
0x9c: {  	v10 =	vperm.xlane v8, v5  }
0x9d: {  	v9 =	vsel vm0, v11, v9  }
0x9e: {  	v11 =	vmax.f32 v8, v10;
	v8 =	vshll.u32 v9, $0x4  }
0x9f: {  	v8 =	vor.u32 v6, v8;
	vm0 =	veq.f32 v12, v11  }
0xa0: {  	v8 =	vnsel vm0, $0x200, v8  }
0xa1: {  	v10 =	vperm.xlane v8, v2;
	_ =	sdelay $0x1  }
0xa2: {  	vm0 =	vlt.s32 v8, v10  }
0xa3: {  	v8 =	vsel vm0, v8, v10  }
0xa4: {  	v10 =	vperm.xlane v8, v3;
	_ =	sdelay $0x1  }
0xa5: {  	vm0 =	vlt.s32 v8, v10  }
0xa6: {  	v8 =	vsel vm0, v8, v10  }
0xa7: {  	v10 =	vperm.xlane v8, v4;
	_ =	sdelay $0x1  }
0xa8: {  	vm0 =	vlt.s32 v8, v10  }
0xa9: {  	v10 =	vsel vm0, v8, v10  }
0xaa: {  	v13 =	vperm.xlane v10, v5;
	_ =	sdelay $0x1  }
0xab: {  	vm0 =	vlt.s32 v10, v13  }
0xac: {  	v8 =	vmul.u32 $0x10, v6;
	v14 =	vsel vm0, v10, v13;
	v13 =	vmov s3  }
0xad: {  	v15 =	vand.u32 $0xF, v14  }
0xae: {  	v10 =	vor.u32 $0x100, v8;
	v16 =	vor.u32 v8, v15  }
0xaf: {  	v17 =	vor.u32 v10, v15;
	_ =	sdelay $0x1  }
0xb0: {  	v63 =	vadd.s32 v0, v14;
	[tilespmem:v13+s15+$0x0] =	vst.idx.msk $0x1, v11  }
0xb1: {  	[tilespmem:v13+s16+$0x0] =	vst.idx.msk $0x1, v63  }
0xb2: {  	v13 =	vld.idx.msk [tilespmem:v16+s3+$0x0], $0xffff  }
0xb3: {  	v16 =	vld.idx.msk [tilespmem:v17+s3+$0x0], $0xffff;
	_ =	sdelay $0x2  }
0xb4: {  	v11 =	vor.u32 $0x10, v6;
	v17 =	vshra.s32 v14, $0x4  }
0xb5: {  	vm0 =	veq.s32 v17, v6;
	vm1 =	veq.s32 v17, v11  }
0xb6: {  	v13 =	vsel vm0, $0xFF61B1E6, v13;
	v16 =	vsel vm1, $0xFF61B1E6, v16  }
0xb7: {  	vm0 =	vgt.f32 v16, v13  }
0xb8: {  	v13 =	vsel vm0, v16, v13  }
0xb9: {  	v16 =	vperm.xlane v13, v2;
	_ =	sdelay $0x1  }
0xba: {  	v16 =	vmax.f32 v13, v16  }
0xbb: {  	v17 =	vperm.xlane v16, v3;
	_ =	sdelay $0x1  }
0xbc: {  	v16 =	vmax.f32 v16, v17  }
0xbd: {  	v17 =	vperm.xlane v16, v4;
	_ =	sdelay $0x1  }
0xbe: {  	v16 =	vmax.f32 v16, v17  }
0xbf: {  	v17 =	vperm.xlane v16, v5;
	_ =	sdelay $0x1  }
0xc0: {  	v16 =	vmax.f32 v16, v17  }
0xc1: {  	v17 =	vsel vm0, v11, v6;
	vm0 =	veq.f32 v13, v16  }
0xc2: {  	v13 =	vnsel vm0, $0x20, v17  }
0xc3: {  	v17 =	vperm.xlane v13, v2;
	_ =	sdelay $0x1  }
0xc4: {  	vm0 =	vlt.s32 v13, v17  }
0xc5: {  	v13 =	vsel vm0, v13, v17  }
0xc6: {  	vm0 =	veq.s32 v15, v6;
	v15 =	vperm.xlane v13, v3  }
0xc7: {  	v12 =	vsel vm0, v16, v12  }
0xc8: {  	v16 =	vperm.xlane v12, v2;
	vm1 =	vlt.s32 v13, v15  }
0xc9: {  	v13 =	vsel vm1, v13, v15  }
0xca: {  	v15 =	vmax.f32 v12, v16;
	v16 =	vperm.xlane v13, v4  }
0xcb: {  	v17 =	vperm.xlane v15, v3  }
0xcc: {  	vm1 =	vlt.s32 v13, v16  }
0xcd: {  	v17 =	vmax.f32 v15, v17;
	v13 =	vsel vm1, v13, v16  }
0xce: {  	v16 =	vperm.xlane v17, v4;
	v15 =	vperm.xlane v13, v5;
	_ =	sdelay $0x1  }
0xcf: {  	s31 =	simm.s32 $0x1;
	s0 =	simm.s32 $0x2;
	[tilespmem:v14+s3+$0x0] =	vst.idx.msk $0x1, v7;
	v14 =	vmax.f32 v17, v16;
	vm1 =	vlt.s32 v13, v15  }
.LBB2_2:
0xd0: {  	p1 =	sne.s32 s0, $0x1F;
	v16 =	vperm.xlane v14, v5;
	v13 =	vsel vm1, v13, v15;
	s2 =	smov.u32 s0;
	s0 =	sadd.s32 $0x1, s0  }
0xd1: {  	v9 =	vsel vm0, v13, v9  }
0xd2: {  	v13 =	vmax.f32 v14, v16;
	v14 =	vshll.u32 v9, $0x4  }
0xd3: {  	v14 =	vor.u32 v6, v14;
	vm0 =	veq.f32 v12, v13  }
0xd4: {  	v14 =	vnsel vm0, $0x200, v14  }
0xd5: {  	v15 =	vperm.xlane v14, v2;
	_ =	sdelay $0x1  }
0xd6: {  	vm0 =	vlt.s32 v14, v15  }
0xd7: {  	v14 =	vsel vm0, v14, v15  }
0xd8: {  	v15 =	vperm.xlane v14, v3;
	_ =	sdelay $0x1  }
0xd9: {  	vm0 =	vlt.s32 v14, v15  }
0xda: {  	v14 =	vsel vm0, v14, v15  }
0xdb: {  	v15 =	vperm.xlane v14, v4;
	_ =	sdelay $0x1  }
0xdc: {  	vm0 =	vlt.s32 v14, v15  }
0xdd: {  	v14 =	vsel vm0, v14, v15  }
0xde: {  	v15 =	vperm.xlane v14, v5;
	_ =	sdelay $0x1  }
0xdf: {  	vm0 =	vlt.s32 v14, v15  }
0xe0: {  	v14 =	vsel vm0, v14, v15;
	v15 =	vmov s31;
	s31 =	smov.u32 s2  }
0xe1: {  	v16 =	vadd.s32 v0, v14;
	v17 =	vand.u32 $0xF, v14  }
0xe2: {  	v18 =	vor.u32 v8, v17;
	v19 =	vor.u32 v10, v17;
	_ =	sdelay $0x2  }
0xe3: {  	[tilespmem:v15+s15+$0x0] =	vst.idx.msk $0x1, v13  }
0xe4: {  	[tilespmem:v15+s16+$0x0] =	vst.idx.msk $0x1, v16  }
0xe5: {  	v13 =	vld.idx.msk [tilespmem:v18+s3+$0x0], $0xffff  }
0xe6: {  	v15 =	vld.idx.msk [tilespmem:v19+s3+$0x0], $0xffff  }
0xe7: {  	[tilespmem:v14+s3+$0x0] =	vst.idx.msk $0x1, v7;
	_ =	sdelay $0x1  }
0xe8: {  	v14 =	vshra.s32 v14, $0x4  }
0xe9: {  	vm0 =	veq.s32 v14, v6;
	vm1 =	veq.s32 v14, v11  }
0xea: {  	v13 =	vsel vm0, $0xFF61B1E6, v13  }
0xeb: {  	v14 =	vsel vm1, $0xFF61B1E6, v15  }
0xec: {  	vm0 =	vgt.f32 v14, v13  }
0xed: {  	v13 =	vsel vm0, v14, v13  }
0xee: {  	v14 =	vperm.xlane v13, v2;
	_ =	sdelay $0x1  }
0xef: {  	v14 =	vmax.f32 v13, v14  }
0xf0: {  	v15 =	vperm.xlane v14, v3;
	_ =	sdelay $0x1  }
0xf1: {  	v14 =	vmax.f32 v14, v15  }
0xf2: {  	v15 =	vperm.xlane v14, v4;
	_ =	sdelay $0x1  }
0xf3: {  	v14 =	vmax.f32 v14, v15  }
0xf4: {  	v15 =	vperm.xlane v14, v5;
	_ =	sdelay $0x1  }
0xf5: {  	v16 =	vsel vm0, v11, v6;
	vm0 =	veq.s32 v17, v6;
	v14 =	vmax.f32 v14, v15  }
0xf6: {  	vm1 =	veq.f32 v13, v14;
	v12 =	vsel vm0, v14, v12  }
0xf7: {  	v13 =	vnsel vm1, $0x20, v16  }
0xf8: {  	v14 =	vperm.xlane v13, v2;
	_ =	sdelay $0x1  }
0xf9: {  	vm1 =	vlt.s32 v13, v14  }
0xfa: {  	v13 =	vsel vm1, v13, v14  }
0xfb: {  	v14 =	vperm.xlane v13, v3;
	_ =	sdelay $0x1  }
0xfc: {  	v15 =	vperm.xlane v12, v2;
	vm1 =	vlt.s32 v13, v14  }
0xfd: {  	v13 =	vsel vm1, v13, v14  }
0xfe: {  	v14 =	vmax.f32 v12, v15;
	v15 =	vperm.xlane v13, v4  }
0xff: {  	v16 =	vperm.xlane v14, v3  }
.Ltmp2:
0x100: {  	vm1 =	vlt.s32 v13, v15;
	(pc) =	sbr.rel @p1 .LBB2_2-.Ltmp2, $3  }
0x101: {  	v14 =	vmax.f32 v14, v16;
	v13 =	vsel vm1, v13, v15  }
0x102: {  	v16 =	vperm.xlane v14, v4;
	v15 =	vperm.xlane v13, v5;
	_ =	sdelay $0x1  }
0x103: {  	v14 =	vmax.f32 v14, v16;
	vm1 =	vlt.s32 v13, v15  }
0x104: {  	v10 =	vperm.xlane v14, v5;
	v11 =	vsel vm1, v13, v15  }
0x105: {  	v9 =	vsel vm0, v11, v9  }
0x106: {  	v10 =	vmax.f32 v14, v10;
	v9 =	vshll.u32 v9, $0x4  }
0x107: {  	v9 =	vor.u32 v6, v9;
	vm15 =	veq.f32 v12, v10  }
0x108: {  	v9 =	vnsel vm15, $0x200, v9  }
0x109: {  	v11 =	vperm.xlane v9, v2;
	_ =	sdelay $0x1  }
0x10a: {  	vm0 =	vlt.s32 v9, v11  }
0x10b: {  	v9 =	vsel vm0, v9, v11  }
0x10c: {  	v11 =	vperm.xlane v9, v3;
	_ =	sdelay $0x1  }
0x10d: {  	vm0 =	vlt.s32 v9, v11  }
0x10e: {  	v9 =	vsel vm0, v9, v11  }
0x10f: {  	v11 =	vperm.xlane v9, v4;
	_ =	sdelay $0x1  }
0x110: {  	vm0 =	vlt.s32 v9, v11  }
0x111: {  	v9 =	vsel vm0, v9, v11  }
0x112: {  	v11 =	vperm.xlane v9, v5  }
0x113: {  	v63 =	vmov s31  }
0x114: {  	vm0 =	vlt.s32 v9, v11  }
0x115: {  	v9 =	vsel vm0, v9, v11;
	_ =	sdelay $0x2  }
0x116: {  	[tilespmem:v63+s15+$0x0] =	vst.idx.msk $0x1, v10;
	v11 =	vadd.s32 v0, v9  }
0x117: {  	[tilespmem:v63+s16+$0x0] =	vst.idx.msk $0x1, v11  }
0x118: {  	[tilespmem:v9+s3+$0x0] =	vst.idx.msk $0x1, v7  }
0x119: {  	[spmem:s5] =	stream.linear.scatter [tilespmem:s15], [sflag:$0x2], $0x20, $0x38;
	[tilespmem:$0x85C0] =	vst v63  }
0x11a: {  	_ =	swait.ge [sflag:s14], $0x20  }
0x11b: {  	[sflag:s14] =	ssyncset.done $0x0  }
0x11c: {  	[sflag:s14] =	ssyncadd.s32 $0xFFFFFFE0  }
0x11d: {  	[spmem:s6] =	stream.linear.scatter [tilespmem:s16], [sflag:$0x2], $0x20, $0x38;
	[tilespmem:$0x85C0] =	vst v63  }
.Ltmp3:
0x11e: {  	_ =	swait.ge [sflag:s14], $0x20;
	(pc) =	sbr.rel @p0 .LBB2_7-.Ltmp3, $3  }
0x11f: {  	[sflag:s14] =	ssyncset.done $0x0  }
0x120: {  	[sflag:s14] =	ssyncadd.s32 $0xFFFFFFE0  }
0x121: {  	[bflag:$0x0] =	sbarrier.arrive $0xFFFF;
	_ =	sdelay $0x1  }
0x122: {  	[tilespmem:s19], [sflag:$0x2] =	stream.strided.gather [spmem:s7], $0x100, s18, s17, $0x38;
	[tilespmem:$0x85C0] =	vst v63  }
0x123: {  	_ =	swait.ge [sflag:s14], $0x100  }
0x124: {  	[sflag:s14] =	ssyncset.done $0x0  }
0x125: {  	[sflag:s14] =	ssyncadd.s32 $0xFFFFFF00  }
0x126: {  	[tilespmem:s20], [sflag:$0x2] =	stream.strided.gather [spmem:s8], $0x100, s18, s17, $0x38;
	[tilespmem:$0x85C0] =	vst v63  }
0x127: {  	_ =	swait.ge [sflag:s14], $0x100  }
0x128: {  	[sflag:s14] =	ssyncset.done $0x0  }
0x129: {  	[sflag:s14] =	ssyncadd.s32 $0xFFFFFF00  }
0x12a: {  	v9 =	vld [tilespmem:$0x300]  }
0x12b: {  	v10 =	vld [tilespmem:$0x310]  }
0x12c: {  	v11 =	vld [tilespmem:$0x320]  }
0x12d: {  	v12 =	vld [tilespmem:$0x330]  }
0x12e: {  	v13 =	vld [tilespmem:$0x340]  }
0x12f: {  	v14 =	vld [tilespmem:$0x350]  }
0x130: {  	v15 =	vld [tilespmem:$0x360]  }
0x131: {  	v16 =	vld [tilespmem:$0x370];
	vm0 =	vgt.f32 v9, $-3.000000010e+38;
	vm1 =	vgt.f32 v10, $-3.000000010e+38  }
0x132: {  	v17 =	vld [tilespmem:$0x380];
	v9 =	vnsel vm0, $0xFF61B1E6, v9;
	v10 =	vnsel vm1, $0xFF61B1E6, v10;
	vm0 =	vgt.f32 v11, $-3.000000010e+38  }
0x133: {  	v19 =	vld [tilespmem:$0x390];
	v18 =	vsel vm1, $0x1, v1;
	vm1 =	vgt.f32 v12, $-3.000000010e+38;
	v11 =	vnsel vm0, $0xFF61B1E6, v11  }
0x134: {  	v21 =	vld [tilespmem:$0x3A0];
	v20 =	vsel vm0, $0x2, v1;
	v12 =	vnsel vm1, $0xFF61B1E6, v12;
	vm0 =	vgt.f32 v13, v9  }
0x135: {  	v22 =	vsel vm1, $0x3, v1;
	vm1 =	vgt.f32 v14, v10;
	v9 =	vsel vm0, v13, v9;
	v13 =	vld [tilespmem:$0x3B0]  }
0x136: {  	v23 =	vsel vm0, $0x4, v1;
	v10 =	vsel vm1, v14, v10;
	vm0 =	vgt.f32 v15, v11;
	v14 =	vld [tilespmem:$0x3C0]  }
0x137: {  	v58 =	vld [tilespmem:$0x3E0];
	vm2 =	vgt.f32 v16, v12;
	v57 =	vsel vm1, $0x5, v18;
	v11 =	vsel vm0, v15, v11  }
0x138: {  	vm3 =	vgt.f32 v17, v9;
	v15 =	vld [tilespmem:$0x3D0];
	v12 =	vsel vm2, v16, v12;
	v59 =	vsel vm0, $0x6, v20  }
0x139: {  	vm0 =	vgt.f32 v19, v10;
	v60 =	vsel vm2, $0x7, v22;
	v9 =	vsel vm3, v17, v9  }
0x13a: {  	v61 =	vld [tilespmem:$0x3F0];
	vm1 =	vgt.f32 v21, v11;
	v10 =	vsel vm0, v19, v10;
	v62 =	vsel vm3, $0x8, v23  }
0x13b: {  	v11 =	vsel vm1, v21, v11;
	vm2 =	vgt.f32 v13, v12;
	vm3 =	vgt.f32 v14, v9  }
0x13c: {  	v12 =	vsel vm2, v13, v12;
	v9 =	vsel vm3, v14, v9;
	v13 =	vsel vm0, $0x9, v57  }
0x13d: {  	v14 =	vsel vm1, $0xA, v59;
	vm0 =	vgt.f32 v15, v10;
	vm1 =	vgt.f32 v58, v11  }
0x13e: {  	v63 =	vsel vm3, $0xC, v62;
	v10 =	vsel vm0, v15, v10;
	v11 =	vsel vm1, v58, v11  }
0x13f: {  	v15 =	vsel vm2, $0xB, v60;
	v13 =	vsel vm0, $0xD, v13;
	vm0 =	vgt.f32 v61, v12  }
0x140: {  	v14 =	vsel vm1, $0xE, v14;
	v12 =	vsel vm0, v61, v12;
	v15 =	vsel vm0, $0xF, v15  }
0x141: {  	vm0 =	vgt.f32 v10, v9;
	vm1 =	veq.f32 v10, v9;
	vm2 =	vlt.u32 v13, v63  }
0x142: {  	vm1 =	vmand vm1, vm2;
	vm2 =	veq.f32 v12, v11;
	vm3 =	vlt.u32 v15, v14  }
0x143: {  	vm0 =	vmor vm0, vm1;
	vm1 =	vmand vm2, vm3;
	vm2 =	vgt.f32 v12, v11  }
0x144: {  	v9 =	vsel vm0, v10, v9;
	vm1 =	vmor vm2, vm1  }
0x145: {  	v10 =	vsel vm0, v13, v63;
	v11 =	vsel vm1, v12, v11;
	v12 =	vsel vm1, v15, v14  }
0x146: {  	vm0 =	veq.f32 v11, v9;
	vm1 =	vlt.u32 v12, v10  }
0x147: {  	vm2 =	vgt.f32 v11, v9;
	vm0 =	vmand vm0, vm1  }
0x148: {  	vm0 =	vmor vm2, vm0  }
0x149: {  	v11 =	vsel vm0, v11, v9  }
0x14a: {  	v9 =	vperm.xlane v11, v2;
	_ =	sdelay $0x1  }
0x14b: {  	v9 =	vmax.f32 v11, v9  }
0x14c: {  	v13 =	vperm.xlane v9, v3;
	_ =	sdelay $0x1  }
0x14d: {  	v9 =	vmax.f32 v9, v13  }
0x14e: {  	v13 =	vperm.xlane v9, v4;
	_ =	sdelay $0x1  }
0x14f: {  	v13 =	vmax.f32 v9, v13  }
0x150: {  	v14 =	vperm.xlane v13, v5  }
0x151: {  	v9 =	vsel vm0, v12, v10  }
0x152: {  	v12 =	vshll.u32 v9, $0x4;
	v10 =	vmax.f32 v13, v14  }
0x153: {  	v12 =	vor.u32 v6, v12;
	vm0 =	veq.f32 v11, v10  }
0x154: {  	v10 =	vnsel vm0, $0x100, v12  }
0x155: {  	v12 =	vperm.xlane v10, v2;
	_ =	sdelay $0x1  }
0x156: {  	vm0 =	vlt.s32 v10, v12  }
0x157: {  	v10 =	vsel vm0, v10, v12  }
0x158: {  	v12 =	vperm.xlane v10, v3;
	_ =	sdelay $0x1  }
0x159: {  	vm0 =	vlt.s32 v10, v12  }
0x15a: {  	v10 =	vsel vm0, v10, v12  }
0x15b: {  	v12 =	vperm.xlane v10, v4;
	_ =	sdelay $0x1  }
0x15c: {  	vm0 =	vlt.s32 v10, v12  }
0x15d: {  	v10 =	vsel vm0, v10, v12  }
0x15e: {  	v12 =	vperm.xlane v10, v5;
	_ =	sdelay $0x1  }
0x15f: {  	vm0 =	vlt.s32 v10, v12  }
0x160: {  	v12 =	vsel vm0, v10, v12;
	_ =	sdelay $0x3  }
0x161: {  	s0 =	simm.s32 $0x0  }
0x162: {  	v14 =	vmov s0;
	v10 =	vand.u32 $0xF, v12;
	v13 =	vld.idx.msk [tilespmem:v12+s20+$0x0], $0xffff  }
0x163: {  	v15 =	vor.u32 v8, v10;
	_ =	sdelay $0x3  }
0x164: {  	[tilespmem:v14+s21+$0x0] =	vst.idx.msk $0x1, v13  }
0x165: {  	v13 =	vld.idx.msk [tilespmem:v15+s19+$0x0], $0xffff;
	_ =	sdelay $0x2  }
0x166: {  	v14 =	vshra.s32 v12, $0x4  }
0x167: {  	vm0 =	veq.s32 v14, v6  }
0x168: {  	v13 =	vsel vm0, $0xFF61B1E6, v13  }
0x169: {  	v14 =	vperm.xlane v13, v2;
	_ =	sdelay $0x1  }
0x16a: {  	v14 =	vmax.f32 v13, v14  }
0x16b: {  	v15 =	vperm.xlane v14, v3;
	_ =	sdelay $0x1  }
0x16c: {  	v14 =	vmax.f32 v14, v15  }
0x16d: {  	v15 =	vperm.xlane v14, v4;
	_ =	sdelay $0x1  }
0x16e: {  	v14 =	vmax.f32 v14, v15  }
0x16f: {  	v15 =	vperm.xlane v14, v5;
	_ =	sdelay $0x1  }
0x170: {  	v14 =	vmax.f32 v14, v15  }
0x171: {  	vm0 =	veq.f32 v13, v14  }
0x172: {  	v13 =	vnsel vm0, $0x10, v6  }
0x173: {  	v15 =	vperm.xlane v13, v2;
	_ =	sdelay $0x1  }
0x174: {  	vm0 =	vlt.s32 v13, v15  }
0x175: {  	v13 =	vsel vm0, v13, v15  }
0x176: {  	vm0 =	veq.s32 v10, v6;
	v15 =	vperm.xlane v13, v3  }
0x177: {  	v10 =	vsel vm0, v14, v11  }
0x178: {  	v11 =	vperm.xlane v10, v2;
	vm1 =	vlt.s32 v13, v15  }
0x179: {  	v13 =	vsel vm1, v13, v15  }
0x17a: {  	v11 =	vmax.f32 v10, v11;
	v14 =	vperm.xlane v13, v4  }
0x17b: {  	v15 =	vperm.xlane v11, v3  }
0x17c: {  	vm1 =	vlt.s32 v13, v14  }
0x17d: {  	v11 =	vmax.f32 v11, v15;
	v13 =	vsel vm1, v13, v14  }
0x17e: {  	v14 =	vperm.xlane v11, v4;
	v15 =	vperm.xlane v13, v5;
	_ =	sdelay $0x1  }
0x17f: {  	v11 =	vmax.f32 v11, v14;
	vm1 =	vlt.s32 v13, v15  }
0x180: {  	s31 =	simm.s32 $0x1;
	s0 =	simm.s32 $0x2;
	[tilespmem:v12+s19+$0x0] =	vst.idx.msk $0x1, v7;
	v12 =	vperm.xlane v11, v5;
	v13 =	vsel vm1, v13, v15  }
.LBB2_5:
0x181: {  	p1 =	sne.s32 s0, $0x1F;
	v9 =	vsel vm0, v13, v9;
	s2 =	smov.u32 s0;
	s0 =	sadd.s32 $0x1, s0  }
0x182: {  	v11 =	vmax.f32 v11, v12;
	v12 =	vshll.u32 v9, $0x4  }
0x183: {  	vm0 =	veq.f32 v10, v11;
	v12 =	vor.u32 v6, v12  }
0x184: {  	v11 =	vnsel vm0, $0x100, v12  }
0x185: {  	v12 =	vperm.xlane v11, v2;
	_ =	sdelay $0x1  }
0x186: {  	vm0 =	vlt.s32 v11, v12  }
0x187: {  	v11 =	vsel vm0, v11, v12  }
0x188: {  	v12 =	vperm.xlane v11, v3;
	_ =	sdelay $0x1  }
0x189: {  	vm0 =	vlt.s32 v11, v12  }
0x18a: {  	v11 =	vsel vm0, v11, v12  }
0x18b: {  	v12 =	vperm.xlane v11, v4;
	_ =	sdelay $0x1  }
0x18c: {  	vm0 =	vlt.s32 v11, v12  }
0x18d: {  	v11 =	vsel vm0, v11, v12  }
0x18e: {  	v12 =	vperm.xlane v11, v5;
	_ =	sdelay $0x1  }
0x18f: {  	vm0 =	vlt.s32 v11, v12  }
0x190: {  	v11 =	vsel vm0, v11, v12  }
0x191: {  	v12 =	vand.u32 $0xF, v11;
	v13 =	vshra.s32 v11, $0x4;
	_ =	sdelay $0x3  }
0x192: {  	v14 =	vld.idx.msk [tilespmem:v11+s20+$0x0], $0xffff  }
0x193: {  	v15 =	vmov s31;
	s31 =	smov.u32 s2  }
0x194: {  	v16 =	vor.u32 v8, v12;
	_ =	sdelay $0x3  }
0x195: {  	[tilespmem:v15+s21+$0x0] =	vst.idx.msk $0x1, v14  }
0x196: {  	v14 =	vld.idx.msk [tilespmem:v16+s19+$0x0], $0xffff  }
0x197: {  	[tilespmem:v11+s19+$0x0] =	vst.idx.msk $0x1, v7;
	_ =	sdelay $0x3  }
0x198: {  	vm0 =	veq.s32 v13, v6  }
0x199: {  	v11 =	vsel vm0, $0xFF61B1E6, v14  }
0x19a: {  	v13 =	vperm.xlane v11, v2;
	_ =	sdelay $0x1  }
0x19b: {  	v13 =	vmax.f32 v11, v13  }
0x19c: {  	v14 =	vperm.xlane v13, v3;
	_ =	sdelay $0x1  }
0x19d: {  	v13 =	vmax.f32 v13, v14  }
0x19e: {  	v14 =	vperm.xlane v13, v4;
	_ =	sdelay $0x1  }
0x19f: {  	v13 =	vmax.f32 v13, v14  }
0x1a0: {  	v14 =	vperm.xlane v13, v5;
	_ =	sdelay $0x1  }
0x1a1: {  	vm0 =	veq.s32 v12, v6;
	v13 =	vmax.f32 v13, v14  }
0x1a2: {  	vm1 =	veq.f32 v11, v13;
	v10 =	vsel vm0, v13, v10  }
0x1a3: {  	v11 =	vnsel vm1, $0x10, v6  }
0x1a4: {  	v12 =	vperm.xlane v11, v2;
	_ =	sdelay $0x1  }
0x1a5: {  	vm1 =	vlt.s32 v11, v12  }
0x1a6: {  	v11 =	vsel vm1, v11, v12  }
0x1a7: {  	v12 =	vperm.xlane v11, v3;
	_ =	sdelay $0x1  }
0x1a8: {  	v13 =	vperm.xlane v10, v2;
	vm1 =	vlt.s32 v11, v12  }
0x1a9: {  	v11 =	vsel vm1, v11, v12  }
0x1aa: {  	v12 =	vmax.f32 v10, v13;
	v13 =	vperm.xlane v11, v4  }
0x1ab: {  	v14 =	vperm.xlane v12, v3  }
0x1ac: {  	vm1 =	vlt.s32 v11, v13  }
.Ltmp4:
0x1ad: {  	v12 =	vmax.f32 v12, v14;
	v13 =	vsel vm1, v11, v13;
	(pc) =	sbr.rel @p1 .LBB2_5-.Ltmp4, $3  }
0x1ae: {  	v11 =	vperm.xlane v12, v4;
	v14 =	vperm.xlane v13, v5;
	_ =	sdelay $0x1  }
0x1af: {  	v11 =	vmax.f32 v12, v11;
	vm1 =	vlt.s32 v13, v14  }
0x1b0: {  	v12 =	vperm.xlane v11, v5;
	v13 =	vsel vm1, v13, v14  }
.Ltmp5:
0x1b1: {  	_ = 	snop;
	(pc) =	sbr.rel .LBB2_6-.Ltmp5, $1  }
0x1b2: {  	_ =	sdelay $0x3  }
.LBB2_8:
0x1b3: {  	_ =	sfence.sel $0x180000  }
0x1b4: {  	[bflag:$0x0] =	sbarrier.arrive $0xFFFF  }
0x1b5: {  	_ =	strace $0x90000047  }
0x1b6: {  	s0 =	stileid.u32;
	[bflag:$0x2] =	sbarrier.arrive $0xFFFF  }
0x1b7: {  	p0 =	sne.s32 s0, $0x0;
	s0 =	rddreg [dreg:$0x5]  }
0x1b8: {  	s0 =	sadd.s32 @!p0 $0x100000, s0  }
0x1b9: {  	[sflag:s0] =	ssyncadd.tile.s32 @!p0 $0x1;
	_ =	shalt  }
.Lfunc_end2:
_tile_overlayer_lowered:
.L_overlay_start_2:
0x1ba: {  	(tag) =	ssettag $0x2  }
0x1bb: {  	s0 =	rddreg [dreg:$0x0];
	s2 =	stileid.u32  }
0x1bc: {  	s1 =	rddreg [dreg:$0x1];
	p0 =	sne.s32 s2, $0x0  }
0x1bd: {  	s3 =	rddreg [dreg:$0x2];
	[bflag:$0x3] =	sbarrier.arrive $0xFFFF;
	s2 =	simm.s32 @!p0 $0x1C02  }
0x1be: {  	[timem:s3], [sflag:s2] =	dma.local @!p0 [hbm:s0], s1  }
0x1bf: {  	s0 =	simm.s32 @!p0 $0x2  }
0x1c0: {  	_ =	swait.ge @!p0 [sflag:s0], s1  }
0x1c1: {  	s1 =	ssub.s32 @!p0 $0x0, s1;
	[sflag:s0] =	ssyncset.done @!p0 $0x0  }
0x1c2: {  	[sflag:s0] =	ssyncadd.s32 @!p0 s1  }
0x1c3: {  	[bflag:$0x3] =	sbarrier.arrive $0xFFFF  }
0x1c4: {  	_ =	shalt  }

</sc_bundles>
